<compile_context>
chip_gen: v7x
topology: tpu7x:2x2x1
jax: 0.10.2.dev20260603
libtpu: 0.0.44.dev20260713+nightly
codegen_flags: <defaults>
</compile_context>

<pallas_src>
import functools

import jax
import jax.numpy as jnp
from jax import lax
from jax.experimental import pallas as pl
from jax.experimental.pallas import tpu as pltpu
from jax.experimental.pallas import tpu_sc as plsc

_info = plsc.get_sparse_core_info()
_NC, _NS, _L = _info.num_cores, _info.num_subcores, _info.num_lanes
_NW = _NC * _NS

_CH = 128
_G = 1
_NBUF = 7
_K = 4


def _make_gather(B, V, E, rows_per_worker, n_chunks):
    mesh = plsc.VectorSubcoreMesh(core_axis_name="c", subcore_axis_name="s")
    assert _K < _NBUF <= 2 * _K and _NBUF < n_chunks

    @functools.partial(
        pl.kernel,
        mesh=mesh,
        out_type=jax.ShapeDtypeStruct((B, E), jnp.float32),
        scratch_types=[
            pltpu.VMEM((n_chunks * _G, _CH), jnp.int32),
        ]
        + [pltpu.VMEM((_G * _CH, E), jnp.float32) for _ in range(_NBUF)]
        + [pltpu.SemaphoreType.DMA for _ in range(2 * _NBUF)],
    )
    def k(idx_hbm, table_hbm, out_hbm, idx_v, *bufs):
        rows = bufs[:_NBUF]
        gsem = bufs[_NBUF : 2 * _NBUF]
        wsem = bufs[2 * _NBUF :]
        wid = lax.axis_index("s") * _NC + lax.axis_index("c")
        base = wid * rows_per_worker

        pltpu.sync_copy(idx_hbm.at[wid], idx_v)

        def _sub(c, b, g):
            return pltpu.make_async_copy(
                table_hbm.at[idx_v.at[c * _G + g]],
                rows[b].at[pl.ds(g * _CH, _CH)],
                gsem[b],
            )

        class _Gather:
            def __init__(self, c, b):
                self.c, self.b = c, b

            def start(self):
                for g in range(_G):
                    _sub(self.c, self.b, g).start()

            def wait(self):
                for g in range(_G):
                    _sub(self.c, self.b, g).wait()

        gather = _Gather

        def write(c, b):
            return pltpu.make_async_copy(
                rows[b],
                out_hbm.at[pl.ds(base + c * (_G * _CH), _G * _CH)],
                wsem[b],
            )

        for j in range(_K):
            gather(j, j % _NBUF).start()

        s0 = _NBUF - _K
        steady = ((n_chunks - _NBUF) // _NBUF) * _NBUF
        s1 = s0 + steady

        for c in range(s0):
            gather(c + _K, (c + _K) % _NBUF).start()
            gather(c, c % _NBUF).wait()
            write(c, c % _NBUF).start()

        def body(i, _):
            g = i * _NBUF + s0
            for bb in range(_NBUF):
                c = g + bb
                b = (s0 + bb) % _NBUF
                bn = (b + _K) % _NBUF
                gather(c, b).wait()
                write(c, b).start()
                write(c + _K - _NBUF, bn).wait()
                gather(c + _K, bn).start()
            return 0

        lax.fori_loop(0, steady // _NBUF, body, 0)

        for c in range(s1, n_chunks):
            b = c % _NBUF
            gather(c, b).wait()
            write(c, b).start()
            if c + _K < n_chunks:
                bn = (c + _K) % _NBUF
                write(c + _K - _NBUF, bn).wait()
                gather(c + _K, bn).start()

        for c in range(n_chunks - _NBUF, n_chunks):
            write(c, c % _NBUF).wait()

    return k


def kernel(x, table):
    Bo, S = x.shape
    V, E = table.shape
    B = Bo * S
    rows_per_worker = B // _NW
    n_chunks = rows_per_worker // (_G * _CH)
    idx = x.T.reshape(_NW, n_chunks * _G, _CH).astype(jnp.int32)
    out = _make_gather(B, V, E, rows_per_worker, n_chunks)(idx, table)
    return jnp.swapaxes(out.reshape(S, Bo, E), 0, 1)

# --- scband reference (transcript-rebuilt; emitter-appended) ---
"""Pipeline reference for scband-embedding-1760936591614 (READ-ONLY COPY).

The authoritative reference and input builder live on the scoring server;
editing this copy changes nothing except your own understanding.
"""

import jax, jax.numpy as jnp
import numpy as np

def _align(n_vocab, align=64):
    return (n_vocab + align - 1) // align * align

VOCAB = 100000
E = 128
ALIGNED = _align(VOCAB)

def setup_inputs(seed: int = 0) -> dict:
    key = jax.random.key(seed)
    k1, k2 = jax.random.split(key)
    x = jax.random.randint(k1, (4096, 50), 0, VOCAB, dtype=jnp.int64 if jax.config.jax_enable_x64 else jnp.int32)
    table = jax.random.normal(k2, (ALIGNED, E), dtype=jnp.float32)
    return {"x": x, "table": table}

def reference(x, table):
    # nn.Embedding forward: gather rows of the table by index
    return jnp.take(table, x, axis=0)

if __name__ == "__main__":
    import jax
    _d = setup_inputs()
    print(jax.jit(kernel)(*tuple(_d.values())))

</pallas_src>

<mosaic_0001>
#map = affine_map<(d0, d1) -> (0, 0, 0)>
#map1 = affine_map<(d0, d1) -> (0, 0)>
module attributes {stable_mosaic.version = 14 : i64} {
  func.func @k(%arg0: i32, %arg1: i32, %arg2: memref<32x50x128xi32, #tpu.memory_space<hbm>>, %arg3: memref<100032x128xf32, #tpu.memory_space<hbm>>, %arg4: memref<204800x128xf32, #tpu.memory_space<hbm>>, %arg5: memref<50x128xi32, #tpu.memory_space<vmem>>, %arg6: memref<128x128xf32, #tpu.memory_space<vmem>>, %arg7: memref<128x128xf32, #tpu.memory_space<vmem>>, %arg8: memref<128x128xf32, #tpu.memory_space<vmem>>, %arg9: memref<128x128xf32, #tpu.memory_space<vmem>>, %arg10: memref<128x128xf32, #tpu.memory_space<vmem>>, %arg11: memref<128x128xf32, #tpu.memory_space<vmem>>, %arg12: memref<128x128xf32, #tpu.memory_space<vmem>>, %arg13: memref<!tpu.dma_semaphore, #tpu.memory_space<semaphore_mem>>, %arg14: memref<!tpu.dma_semaphore, #tpu.memory_space<semaphore_mem>>, %arg15: memref<!tpu.dma_semaphore, #tpu.memory_space<semaphore_mem>>, %arg16: memref<!tpu.dma_semaphore, #tpu.memory_space<semaphore_mem>>, %arg17: memref<!tpu.dma_semaphore, #tpu.memory_space<semaphore_mem>>, %arg18: memref<!tpu.dma_semaphore, #tpu.memory_space<semaphore_mem>>, %arg19: memref<!tpu.dma_semaphore, #tpu.memory_space<semaphore_mem>>, %arg20: memref<!tpu.dma_semaphore, #tpu.memory_space<semaphore_mem>>, %arg21: memref<!tpu.dma_semaphore, #tpu.memory_space<semaphore_mem>>, %arg22: memref<!tpu.dma_semaphore, #tpu.memory_space<semaphore_mem>>, %arg23: memref<!tpu.dma_semaphore, #tpu.memory_space<semaphore_mem>>, %arg24: memref<!tpu.dma_semaphore, #tpu.memory_space<semaphore_mem>>, %arg25: memref<!tpu.dma_semaphore, #tpu.memory_space<semaphore_mem>>, %arg26: memref<!tpu.dma_semaphore, #tpu.memory_space<semaphore_mem>>) attributes {dimension_semantics = [#tpu.dimension_semantics<core_parallel>, #tpu.dimension_semantics<subcore_parallel>], iteration_bounds = array<i64: 2, 16>, scalar_prefetch = 0 : i64, scratch_operands = 22 : i64, tpu.core_type = #tpu.core_type<sc_vector_subcore>, window_params = [{transform_indices = #map}, {transform_indices = #map1}, {transform_indices = #map1}]} {
    %mul3A = arith.constant 2 : i32
    %mul3A_0 = arith.muli %arg1, %mul3A : i32
    %add3A = arith.addi %mul3A_0, %arg0 : i32
    %mul3A_1 = arith.constant 6400 : i32
    %mul3A_2 = arith.muli %add3A, %mul3A_1 : i32
    "tpu.region"() ({
      %run_scoped3A = tpu.sem_alloc : memref<!tpu.dma_semaphore, #tpu.memory_space<semaphore_mem>>
      %dma_start3A_263 = arith.constant 0 : i32
      %dma_start3A_264 = arith.constant 0 : i32
      %dma_start3A_265 = tpu.memref_slice %arg2[%add3A, %dma_start3A_263, %dma_start3A_264] : memref<32x50x128xi32, #tpu.memory_space<hbm>> -> memref<1x50x128xi32, #tpu.memory_space<hbm>>
      %dma_start3A_266 = tpu.memref_squeeze %dma_start3A_265 : memref<1x50x128xi32, #tpu.memory_space<hbm>> -> memref<50x128xi32, #tpu.memory_space<hbm>>
      %dma_start3A_267 = arith.constant 0 : i32
      %dma_start3A_268 = arith.constant 0 : i32
      %dma_start3A_269 = tpu.memref_slice %arg2[%add3A, %dma_start3A_267, %dma_start3A_268] : memref<32x50x128xi32, #tpu.memory_space<hbm>> -> memref<1x50x128xi32, #tpu.memory_space<hbm>>
      %dma_start3A_270 = tpu.memref_squeeze %dma_start3A_269 : memref<1x50x128xi32, #tpu.memory_space<hbm>> -> memref<50x128xi32, #tpu.memory_space<hbm>>
      tpu.enqueue_dma source(%dma_start3A_270 : memref<50x128xi32, #tpu.memory_space<hbm>>) target(%arg5 : memref<50x128xi32, #tpu.memory_space<vmem>>) target_semaphore(%run_scoped3A : memref<!tpu.dma_semaphore, #tpu.memory_space<semaphore_mem>>)
      %dma_wait3A_271 = arith.constant 0 : i32
      %dma_wait3A_272 = arith.constant 0 : i32
      %dma_wait3A_273 = tpu.memref_slice %arg2[%add3A, %dma_wait3A_271, %dma_wait3A_272] : memref<32x50x128xi32, #tpu.memory_space<hbm>> -> memref<1x50x128xi32, #tpu.memory_space<hbm>>
      %dma_wait3A_274 = tpu.memref_squeeze %dma_wait3A_273 : memref<1x50x128xi32, #tpu.memory_space<hbm>> -> memref<50x128xi32, #tpu.memory_space<hbm>>
      %dma_wait3A_275 = arith.constant 0 : i32
      %dma_wait3A_276 = arith.constant 0 : i32
      %dma_wait3A_277 = tpu.memref_slice %arg2[%add3A, %dma_wait3A_275, %dma_wait3A_276] : memref<32x50x128xi32, #tpu.memory_space<hbm>> -> memref<1x50x128xi32, #tpu.memory_space<hbm>>
      %dma_wait3A_278 = tpu.memref_squeeze %dma_wait3A_277 : memref<1x50x128xi32, #tpu.memory_space<hbm>> -> memref<50x128xi32, #tpu.memory_space<hbm>>
      tpu.wait_dma2 semaphore(%run_scoped3A : memref<!tpu.dma_semaphore, #tpu.memory_space<semaphore_mem>>) src(%dma_wait3A_278 : memref<50x128xi32, #tpu.memory_space<hbm>>) dst(%arg5 : memref<50x128xi32, #tpu.memory_space<vmem>>)
      tpu.yield
    }) : () -> ()
    %dma_start3A = arith.constant 0 : i32
    %dma_start3A_3 = arith.constant 0 : i32
    %dma_start3A_4 = arith.constant 0 : i32
    %dma_start3A_5 = tpu.memref_slice %arg6[%dma_start3A_3, %dma_start3A_4] : memref<128x128xf32, #tpu.memory_space<vmem>> -> memref<128x128xf32, #tpu.memory_space<vmem>>
    %dma_start3A_6 = arith.constant 0 : i32
    %dma_start3A_7 = tpu.memref_slice %arg5[%dma_start3A, %dma_start3A_6] : memref<50x128xi32, #tpu.memory_space<vmem>> -> memref<1x128xi32, #tpu.memory_space<vmem>>
    %dma_start3A_8 = tpu.memref_squeeze %dma_start3A_7 : memref<1x128xi32, #tpu.memory_space<vmem>> -> memref<128xi32, #tpu.memory_space<vmem>>
    %dma_start3A_9 = arith.constant 0 : i32
    %dma_start3A_10 = arith.constant 0 : i32
    %dma_start3A_11 = tpu.memref_slice %arg3[%dma_start3A_9, %dma_start3A_10] : memref<100032x128xf32, #tpu.memory_space<hbm>> -> memref<100032x128xf32, #tpu.memory_space<hbm>>
    tpu.enqueue_indirect_dma source(%dma_start3A_11 : memref<100032x128xf32, #tpu.memory_space<hbm>>) target(%dma_start3A_5 : memref<128x128xf32, #tpu.memory_space<vmem>>) offsets(%dma_start3A_8 : memref<128xi32, #tpu.memory_space<vmem>>) semaphore(%arg13 : memref<!tpu.dma_semaphore, #tpu.memory_space<semaphore_mem>>)
    %dma_start3A_12 = arith.constant 1 : i32
    %dma_start3A_13 = arith.constant 0 : i32
    %dma_start3A_14 = arith.constant 0 : i32
    %dma_start3A_15 = tpu.memref_slice %arg7[%dma_start3A_13, %dma_start3A_14] : memref<128x128xf32, #tpu.memory_space<vmem>> -> memref<128x128xf32, #tpu.memory_space<vmem>>
    %dma_start3A_16 = arith.constant 0 : i32
    %dma_start3A_17 = tpu.memref_slice %arg5[%dma_start3A_12, %dma_start3A_16] : memref<50x128xi32, #tpu.memory_space<vmem>> -> memref<1x128xi32, #tpu.memory_space<vmem>>
    %dma_start3A_18 = tpu.memref_squeeze %dma_start3A_17 : memref<1x128xi32, #tpu.memory_space<vmem>> -> memref<128xi32, #tpu.memory_space<vmem>>
    %dma_start3A_19 = arith.constant 0 : i32
    %dma_start3A_20 = arith.constant 0 : i32
    %dma_start3A_21 = tpu.memref_slice %arg3[%dma_start3A_19, %dma_start3A_20] : memref<100032x128xf32, #tpu.memory_space<hbm>> -> memref<100032x128xf32, #tpu.memory_space<hbm>>
    tpu.enqueue_indirect_dma source(%dma_start3A_21 : memref<100032x128xf32, #tpu.memory_space<hbm>>) target(%dma_start3A_15 : memref<128x128xf32, #tpu.memory_space<vmem>>) offsets(%dma_start3A_18 : memref<128xi32, #tpu.memory_space<vmem>>) semaphore(%arg14 : memref<!tpu.dma_semaphore, #tpu.memory_space<semaphore_mem>>)
    %dma_start3A_22 = arith.constant 2 : i32
    %dma_start3A_23 = arith.constant 0 : i32
    %dma_start3A_24 = arith.constant 0 : i32
    %dma_start3A_25 = tpu.memref_slice %arg8[%dma_start3A_23, %dma_start3A_24] : memref<128x128xf32, #tpu.memory_space<vmem>> -> memref<128x128xf32, #tpu.memory_space<vmem>>
    %dma_start3A_26 = arith.constant 0 : i32
    %dma_start3A_27 = tpu.memref_slice %arg5[%dma_start3A_22, %dma_start3A_26] : memref<50x128xi32, #tpu.memory_space<vmem>> -> memref<1x128xi32, #tpu.memory_space<vmem>>
    %dma_start3A_28 = tpu.memref_squeeze %dma_start3A_27 : memref<1x128xi32, #tpu.memory_space<vmem>> -> memref<128xi32, #tpu.memory_space<vmem>>
    %dma_start3A_29 = arith.constant 0 : i32
    %dma_start3A_30 = arith.constant 0 : i32
    %dma_start3A_31 = tpu.memref_slice %arg3[%dma_start3A_29, %dma_start3A_30] : memref<100032x128xf32, #tpu.memory_space<hbm>> -> memref<100032x128xf32, #tpu.memory_space<hbm>>
    tpu.enqueue_indirect_dma source(%dma_start3A_31 : memref<100032x128xf32, #tpu.memory_space<hbm>>) target(%dma_start3A_25 : memref<128x128xf32, #tpu.memory_space<vmem>>) offsets(%dma_start3A_28 : memref<128xi32, #tpu.memory_space<vmem>>) semaphore(%arg15 : memref<!tpu.dma_semaphore, #tpu.memory_space<semaphore_mem>>)
    %dma_start3A_32 = arith.constant 3 : i32
    %dma_start3A_33 = arith.constant 0 : i32
    %dma_start3A_34 = arith.constant 0 : i32
    %dma_start3A_35 = tpu.memref_slice %arg9[%dma_start3A_33, %dma_start3A_34] : memref<128x128xf32, #tpu.memory_space<vmem>> -> memref<128x128xf32, #tpu.memory_space<vmem>>
    %dma_start3A_36 = arith.constant 0 : i32
    %dma_start3A_37 = tpu.memref_slice %arg5[%dma_start3A_32, %dma_start3A_36] : memref<50x128xi32, #tpu.memory_space<vmem>> -> memref<1x128xi32, #tpu.memory_space<vmem>>
    %dma_start3A_38 = tpu.memref_squeeze %dma_start3A_37 : memref<1x128xi32, #tpu.memory_space<vmem>> -> memref<128xi32, #tpu.memory_space<vmem>>
    %dma_start3A_39 = arith.constant 0 : i32
    %dma_start3A_40 = arith.constant 0 : i32
    %dma_start3A_41 = tpu.memref_slice %arg3[%dma_start3A_39, %dma_start3A_40] : memref<100032x128xf32, #tpu.memory_space<hbm>> -> memref<100032x128xf32, #tpu.memory_space<hbm>>
    tpu.enqueue_indirect_dma source(%dma_start3A_41 : memref<100032x128xf32, #tpu.memory_space<hbm>>) target(%dma_start3A_35 : memref<128x128xf32, #tpu.memory_space<vmem>>) offsets(%dma_start3A_38 : memref<128xi32, #tpu.memory_space<vmem>>) semaphore(%arg16 : memref<!tpu.dma_semaphore, #tpu.memory_space<semaphore_mem>>)
    %dma_start3A_42 = arith.constant 4 : i32
    %dma_start3A_43 = arith.constant 0 : i32
    %dma_start3A_44 = arith.constant 0 : i32
    %dma_start3A_45 = tpu.memref_slice %arg10[%dma_start3A_43, %dma_start3A_44] : memref<128x128xf32, #tpu.memory_space<vmem>> -> memref<128x128xf32, #tpu.memory_space<vmem>>
    %dma_start3A_46 = arith.constant 0 : i32
    %dma_start3A_47 = tpu.memref_slice %arg5[%dma_start3A_42, %dma_start3A_46] : memref<50x128xi32, #tpu.memory_space<vmem>> -> memref<1x128xi32, #tpu.memory_space<vmem>>
    %dma_start3A_48 = tpu.memref_squeeze %dma_start3A_47 : memref<1x128xi32, #tpu.memory_space<vmem>> -> memref<128xi32, #tpu.memory_space<vmem>>
    %dma_start3A_49 = arith.constant 0 : i32
    %dma_start3A_50 = arith.constant 0 : i32
    %dma_start3A_51 = tpu.memref_slice %arg3[%dma_start3A_49, %dma_start3A_50] : memref<100032x128xf32, #tpu.memory_space<hbm>> -> memref<100032x128xf32, #tpu.memory_space<hbm>>
    tpu.enqueue_indirect_dma source(%dma_start3A_51 : memref<100032x128xf32, #tpu.memory_space<hbm>>) target(%dma_start3A_45 : memref<128x128xf32, #tpu.memory_space<vmem>>) offsets(%dma_start3A_48 : memref<128xi32, #tpu.memory_space<vmem>>) semaphore(%arg17 : memref<!tpu.dma_semaphore, #tpu.memory_space<semaphore_mem>>)
    %dma_wait3A = arith.constant 0 : i32
    %dma_wait3A_52 = arith.constant 0 : i32
    %dma_wait3A_53 = arith.constant 0 : i32
    %dma_wait3A_54 = tpu.memref_slice %arg6[%dma_wait3A_52, %dma_wait3A_53] : memref<128x128xf32, #tpu.memory_space<vmem>> -> memref<128x128xf32, #tpu.memory_space<vmem>>
    %dma_wait3A_55 = arith.constant 0 : i32
    %dma_wait3A_56 = tpu.memref_slice %arg5[%dma_wait3A, %dma_wait3A_55] : memref<50x128xi32, #tpu.memory_space<vmem>> -> memref<1x128xi32, #tpu.memory_space<vmem>>
    %dma_wait3A_57 = tpu.memref_squeeze %dma_wait3A_56 : memref<1x128xi32, #tpu.memory_space<vmem>> -> memref<128xi32, #tpu.memory_space<vmem>>
    %dma_wait3A_58 = arith.constant 0 : i32
    %dma_wait3A_59 = arith.constant 0 : i32
    %dma_wait3A_60 = tpu.memref_slice %arg3[%dma_wait3A_58, %dma_wait3A_59] : memref<100032x128xf32, #tpu.memory_space<hbm>> -> memref<100032x128xf32, #tpu.memory_space<hbm>>
    tpu.wait_indirect_dma semaphore(%arg13 : memref<!tpu.dma_semaphore, #tpu.memory_space<semaphore_mem>>) src(%dma_wait3A_60 : memref<100032x128xf32, #tpu.memory_space<hbm>>) dst(%dma_wait3A_54 : memref<128x128xf32, #tpu.memory_space<vmem>>)
    %add3A_61 = arith.constant 0 : i32
    %add3A_62 = arith.addi %mul3A_2, %add3A_61 : i32
    %dma_start3A_63 = arith.constant 0 : i32
    %dma_start3A_64 = tpu.memref_slice %arg4[%add3A_62, %dma_start3A_63] : memref<204800x128xf32, #tpu.memory_space<hbm>> -> memref<128x128xf32, #tpu.memory_space<hbm>>
    %dma_start3A_65 = arith.constant 0 : i32
    %dma_start3A_66 = tpu.memref_slice %arg4[%add3A_62, %dma_start3A_65] : memref<204800x128xf32, #tpu.memory_space<hbm>> -> memref<128x128xf32, #tpu.memory_space<hbm>>
    tpu.enqueue_dma source(%arg6 : memref<128x128xf32, #tpu.memory_space<vmem>>) target(%dma_start3A_66 : memref<128x128xf32, #tpu.memory_space<hbm>>) target_semaphore(%arg20 : memref<!tpu.dma_semaphore, #tpu.memory_space<semaphore_mem>>)
    %dma_start3A_67 = arith.constant 5 : i32
    %dma_start3A_68 = arith.constant 0 : i32
    %dma_start3A_69 = arith.constant 0 : i32
    %dma_start3A_70 = tpu.memref_slice %arg11[%dma_start3A_68, %dma_start3A_69] : memref<128x128xf32, #tpu.memory_space<vmem>> -> memref<128x128xf32, #tpu.memory_space<vmem>>
    %dma_start3A_71 = arith.constant 0 : i32
    %dma_start3A_72 = tpu.memref_slice %arg5[%dma_start3A_67, %dma_start3A_71] : memref<50x128xi32, #tpu.memory_space<vmem>> -> memref<1x128xi32, #tpu.memory_space<vmem>>
    %dma_start3A_73 = tpu.memref_squeeze %dma_start3A_72 : memref<1x128xi32, #tpu.memory_space<vmem>> -> memref<128xi32, #tpu.memory_space<vmem>>
    %dma_start3A_74 = arith.constant 0 : i32
    %dma_start3A_75 = arith.constant 0 : i32
    %dma_start3A_76 = tpu.memref_slice %arg3[%dma_start3A_74, %dma_start3A_75] : memref<100032x128xf32, #tpu.memory_space<hbm>> -> memref<100032x128xf32, #tpu.memory_space<hbm>>
    tpu.enqueue_indirect_dma source(%dma_start3A_76 : memref<100032x128xf32, #tpu.memory_space<hbm>>) target(%dma_start3A_70 : memref<128x128xf32, #tpu.memory_space<vmem>>) offsets(%dma_start3A_73 : memref<128xi32, #tpu.memory_space<vmem>>) semaphore(%arg18 : memref<!tpu.dma_semaphore, #tpu.memory_space<semaphore_mem>>)
    %dma_wait3A_77 = arith.constant 1 : i32
    %dma_wait3A_78 = arith.constant 0 : i32
    %dma_wait3A_79 = arith.constant 0 : i32
    %dma_wait3A_80 = tpu.memref_slice %arg7[%dma_wait3A_78, %dma_wait3A_79] : memref<128x128xf32, #tpu.memory_space<vmem>> -> memref<128x128xf32, #tpu.memory_space<vmem>>
    %dma_wait3A_81 = arith.constant 0 : i32
    %dma_wait3A_82 = tpu.memref_slice %arg5[%dma_wait3A_77, %dma_wait3A_81] : memref<50x128xi32, #tpu.memory_space<vmem>> -> memref<1x128xi32, #tpu.memory_space<vmem>>
    %dma_wait3A_83 = tpu.memref_squeeze %dma_wait3A_82 : memref<1x128xi32, #tpu.memory_space<vmem>> -> memref<128xi32, #tpu.memory_space<vmem>>
    %dma_wait3A_84 = arith.constant 0 : i32
    %dma_wait3A_85 = arith.constant 0 : i32
    %dma_wait3A_86 = tpu.memref_slice %arg3[%dma_wait3A_84, %dma_wait3A_85] : memref<100032x128xf32, #tpu.memory_space<hbm>> -> memref<100032x128xf32, #tpu.memory_space<hbm>>
    tpu.wait_indirect_dma semaphore(%arg14 : memref<!tpu.dma_semaphore, #tpu.memory_space<semaphore_mem>>) src(%dma_wait3A_86 : memref<100032x128xf32, #tpu.memory_space<hbm>>) dst(%dma_wait3A_80 : memref<128x128xf32, #tpu.memory_space<vmem>>)
    %add3A_87 = arith.constant 128 : i32
    %add3A_88 = arith.addi %mul3A_2, %add3A_87 : i32
    %dma_start3A_89 = arith.constant 0 : i32
    %dma_start3A_90 = tpu.memref_slice %arg4[%add3A_88, %dma_start3A_89] : memref<204800x128xf32, #tpu.memory_space<hbm>> -> memref<128x128xf32, #tpu.memory_space<hbm>>
    %dma_start3A_91 = arith.constant 0 : i32
    %dma_start3A_92 = tpu.memref_slice %arg4[%add3A_88, %dma_start3A_91] : memref<204800x128xf32, #tpu.memory_space<hbm>> -> memref<128x128xf32, #tpu.memory_space<hbm>>
    tpu.enqueue_dma source(%arg7 : memref<128x128xf32, #tpu.memory_space<vmem>>) target(%dma_start3A_92 : memref<128x128xf32, #tpu.memory_space<hbm>>) target_semaphore(%arg21 : memref<!tpu.dma_semaphore, #tpu.memory_space<semaphore_mem>>)
    %dma_start3A_93 = arith.constant 6 : i32
    %dma_start3A_94 = arith.constant 0 : i32
    %dma_start3A_95 = arith.constant 0 : i32
    %dma_start3A_96 = tpu.memref_slice %arg12[%dma_start3A_94, %dma_start3A_95] : memref<128x128xf32, #tpu.memory_space<vmem>> -> memref<128x128xf32, #tpu.memory_space<vmem>>
    %dma_start3A_97 = arith.constant 0 : i32
    %dma_start3A_98 = tpu.memref_slice %arg5[%dma_start3A_93, %dma_start3A_97] : memref<50x128xi32, #tpu.memory_space<vmem>> -> memref<1x128xi32, #tpu.memory_space<vmem>>
    %dma_start3A_99 = tpu.memref_squeeze %dma_start3A_98 : memref<1x128xi32, #tpu.memory_space<vmem>> -> memref<128xi32, #tpu.memory_space<vmem>>
    %dma_start3A_100 = arith.constant 0 : i32
    %dma_start3A_101 = arith.constant 0 : i32
    %dma_start3A_102 = tpu.memref_slice %arg3[%dma_start3A_100, %dma_start3A_101] : memref<100032x128xf32, #tpu.memory_space<hbm>> -> memref<100032x128xf32, #tpu.memory_space<hbm>>
    tpu.enqueue_indirect_dma source(%dma_start3A_102 : memref<100032x128xf32, #tpu.memory_space<hbm>>) target(%dma_start3A_96 : memref<128x128xf32, #tpu.memory_space<vmem>>) offsets(%dma_start3A_99 : memref<128xi32, #tpu.memory_space<vmem>>) semaphore(%arg19 : memref<!tpu.dma_semaphore, #tpu.memory_space<semaphore_mem>>)
    %dma_wait3A_103 = arith.constant 2 : i32
    %dma_wait3A_104 = arith.constant 0 : i32
    %dma_wait3A_105 = arith.constant 0 : i32
    %dma_wait3A_106 = tpu.memref_slice %arg8[%dma_wait3A_104, %dma_wait3A_105] : memref<128x128xf32, #tpu.memory_space<vmem>> -> memref<128x128xf32, #tpu.memory_space<vmem>>
    %dma_wait3A_107 = arith.constant 0 : i32
    %dma_wait3A_108 = tpu.memref_slice %arg5[%dma_wait3A_103, %dma_wait3A_107] : memref<50x128xi32, #tpu.memory_space<vmem>> -> memref<1x128xi32, #tpu.memory_space<vmem>>
    %dma_wait3A_109 = tpu.memref_squeeze %dma_wait3A_108 : memref<1x128xi32, #tpu.memory_space<vmem>> -> memref<128xi32, #tpu.memory_space<vmem>>
    %dma_wait3A_110 = arith.constant 0 : i32
    %dma_wait3A_111 = arith.constant 0 : i32
    %dma_wait3A_112 = tpu.memref_slice %arg3[%dma_wait3A_110, %dma_wait3A_111] : memref<100032x128xf32, #tpu.memory_space<hbm>> -> memref<100032x128xf32, #tpu.memory_space<hbm>>
    tpu.wait_indirect_dma semaphore(%arg15 : memref<!tpu.dma_semaphore, #tpu.memory_space<semaphore_mem>>) src(%dma_wait3A_112 : memref<100032x128xf32, #tpu.memory_space<hbm>>) dst(%dma_wait3A_106 : memref<128x128xf32, #tpu.memory_space<vmem>>)
    %add3A_113 = arith.constant 256 : i32
    %add3A_114 = arith.addi %mul3A_2, %add3A_113 : i32
    %dma_start3A_115 = arith.constant 0 : i32
    %dma_start3A_116 = tpu.memref_slice %arg4[%add3A_114, %dma_start3A_115] : memref<204800x128xf32, #tpu.memory_space<hbm>> -> memref<128x128xf32, #tpu.memory_space<hbm>>
    %dma_start3A_117 = arith.constant 0 : i32
    %dma_start3A_118 = tpu.memref_slice %arg4[%add3A_114, %dma_start3A_117] : memref<204800x128xf32, #tpu.memory_space<hbm>> -> memref<128x128xf32, #tpu.memory_space<hbm>>
    tpu.enqueue_dma source(%arg8 : memref<128x128xf32, #tpu.memory_space<vmem>>) target(%dma_start3A_118 : memref<128x128xf32, #tpu.memory_space<hbm>>) target_semaphore(%arg22 : memref<!tpu.dma_semaphore, #tpu.memory_space<semaphore_mem>>)
    %scan3A = arith.constant 0 : i32
    %scan3A_119 = arith.constant 0 : i32
    %scan3A_120 = arith.constant 6 : i32
    %scan3A_121 = arith.addi %scan3A_119, %scan3A_120 : i32
    %scan3A_122 = arith.constant 1 : i32
    %scan3A_123 = scf.for %scan3A_263 = %scan3A_119 to %scan3A_121 step %scan3A_122 iter_args(%scan3A_264 = %scan3A) -> (i32)  : i32 {
      %mul3A_265 = arith.constant 7 : i32
      %mul3A_266 = arith.muli %scan3A_263, %mul3A_265 : i32
      %add3A_267 = arith.constant 3 : i32
      %add3A_268 = arith.addi %mul3A_266, %add3A_267 : i32
      %add3A_269 = arith.constant 0 : i32
      %add3A_270 = arith.addi %add3A_268, %add3A_269 : i32
      %mul3A_271 = arith.constant 1 : i32
      %mul3A_272 = arith.muli %add3A_270, %mul3A_271 : i32
      %add3A_273 = arith.constant 0 : i32
      %add3A_274 = arith.addi %mul3A_272, %add3A_273 : i32
      %dma_wait3A_275 = arith.constant 0 : i32
      %dma_wait3A_276 = arith.constant 0 : i32
      %dma_wait3A_277 = tpu.memref_slice %arg9[%dma_wait3A_275, %dma_wait3A_276] : memref<128x128xf32, #tpu.memory_space<vmem>> -> memref<128x128xf32, #tpu.memory_space<vmem>>
      %dma_wait3A_278 = arith.constant 0 : i32
      %dma_wait3A_279 = tpu.memref_slice %arg5[%add3A_274, %dma_wait3A_278] : memref<50x128xi32, #tpu.memory_space<vmem>> -> memref<1x128xi32, #tpu.memory_space<vmem>>
      %dma_wait3A_280 = tpu.memref_squeeze %dma_wait3A_279 : memref<1x128xi32, #tpu.memory_space<vmem>> -> memref<128xi32, #tpu.memory_space<vmem>>
      %dma_wait3A_281 = arith.constant 0 : i32
      %dma_wait3A_282 = arith.constant 0 : i32
      %dma_wait3A_283 = tpu.memref_slice %arg3[%dma_wait3A_281, %dma_wait3A_282] : memref<100032x128xf32, #tpu.memory_space<hbm>> -> memref<100032x128xf32, #tpu.memory_space<hbm>>
      tpu.wait_indirect_dma semaphore(%arg16 : memref<!tpu.dma_semaphore, #tpu.memory_space<semaphore_mem>>) src(%dma_wait3A_283 : memref<100032x128xf32, #tpu.memory_space<hbm>>) dst(%dma_wait3A_277 : memref<128x128xf32, #tpu.memory_space<vmem>>)
      %mul3A_284 = arith.constant 128 : i32
      %mul3A_285 = arith.muli %add3A_270, %mul3A_284 : i32
      %add3A_286 = arith.addi %mul3A_2, %mul3A_285 : i32
      %dma_start3A_287 = arith.constant 0 : i32
      %dma_start3A_288 = tpu.memref_slice %arg4[%add3A_286, %dma_start3A_287] : memref<204800x128xf32, #tpu.memory_space<hbm>> -> memref<128x128xf32, #tpu.memory_space<hbm>>
      %dma_start3A_289 = arith.constant 0 : i32
      %dma_start3A_290 = tpu.memref_slice %arg4[%add3A_286, %dma_start3A_289] : memref<204800x128xf32, #tpu.memory_space<hbm>> -> memref<128x128xf32, #tpu.memory_space<hbm>>
      tpu.enqueue_dma source(%arg9 : memref<128x128xf32, #tpu.memory_space<vmem>>) target(%dma_start3A_290 : memref<128x128xf32, #tpu.memory_space<hbm>>) target_semaphore(%arg23 : memref<!tpu.dma_semaphore, #tpu.memory_space<semaphore_mem>>)
      %add3A_291 = arith.constant 4 : i32
      %add3A_292 = arith.addi %add3A_270, %add3A_291 : i32
      %sub3A = arith.constant 7 : i32
      %sub3A_293 = arith.subi %add3A_292, %sub3A : i32
      %mul3A_294 = arith.constant 128 : i32
      %mul3A_295 = arith.muli %sub3A_293, %mul3A_294 : i32
      %add3A_296 = arith.addi %mul3A_2, %mul3A_295 : i32
      %dma_wait3A_297 = arith.constant 0 : i32
      %dma_wait3A_298 = tpu.memref_slice %arg4[%add3A_296, %dma_wait3A_297] : memref<204800x128xf32, #tpu.memory_space<hbm>> -> memref<128x128xf32, #tpu.memory_space<hbm>>
      %dma_wait3A_299 = arith.constant 0 : i32
      %dma_wait3A_300 = tpu.memref_slice %arg4[%add3A_296, %dma_wait3A_299] : memref<204800x128xf32, #tpu.memory_space<hbm>> -> memref<128x128xf32, #tpu.memory_space<hbm>>
      tpu.wait_dma2 semaphore(%arg20 : memref<!tpu.dma_semaphore, #tpu.memory_space<semaphore_mem>>) src(%arg6 : memref<128x128xf32, #tpu.memory_space<vmem>>) dst(%dma_wait3A_300 : memref<128x128xf32, #tpu.memory_space<hbm>>)
      %add3A_301 = arith.constant 4 : i32
      %add3A_302 = arith.addi %add3A_270, %add3A_301 : i32
      %mul3A_303 = arith.constant 1 : i32
      %mul3A_304 = arith.muli %add3A_302, %mul3A_303 : i32
      %add3A_305 = arith.constant 0 : i32
      %add3A_306 = arith.addi %mul3A_304, %add3A_305 : i32
      %dma_start3A_307 = arith.constant 0 : i32
      %dma_start3A_308 = arith.constant 0 : i32
      %dma_start3A_309 = tpu.memref_slice %arg6[%dma_start3A_307, %dma_start3A_308] : memref<128x128xf32, #tpu.memory_space<vmem>> -> memref<128x128xf32, #tpu.memory_space<vmem>>
      %dma_start3A_310 = arith.constant 0 : i32
      %dma_start3A_311 = tpu.memref_slice %arg5[%add3A_306, %dma_start3A_310] : memref<50x128xi32, #tpu.memory_space<vmem>> -> memref<1x128xi32, #tpu.memory_space<vmem>>
      %dma_start3A_312 = tpu.memref_squeeze %dma_start3A_311 : memref<1x128xi32, #tpu.memory_space<vmem>> -> memref<128xi32, #tpu.memory_space<vmem>>
      %dma_start3A_313 = arith.constant 0 : i32
      %dma_start3A_314 = arith.constant 0 : i32
      %dma_start3A_315 = tpu.memref_slice %arg3[%dma_start3A_313, %dma_start3A_314] : memref<100032x128xf32, #tpu.memory_space<hbm>> -> memref<100032x128xf32, #tpu.memory_space<hbm>>
      tpu.enqueue_indirect_dma source(%dma_start3A_315 : memref<100032x128xf32, #tpu.memory_space<hbm>>) target(%dma_start3A_309 : memref<128x128xf32, #tpu.memory_space<vmem>>) offsets(%dma_start3A_312 : memref<128xi32, #tpu.memory_space<vmem>>) semaphore(%arg13 : memref<!tpu.dma_semaphore, #tpu.memory_space<semaphore_mem>>)
      %add3A_316 = arith.constant 1 : i32
      %add3A_317 = arith.addi %add3A_268, %add3A_316 : i32
      %mul3A_318 = arith.constant 1 : i32
      %mul3A_319 = arith.muli %add3A_317, %mul3A_318 : i32
      %add3A_320 = arith.constant 0 : i32
      %add3A_321 = arith.addi %mul3A_319, %add3A_320 : i32
      %dma_wait3A_322 = arith.constant 0 : i32
      %dma_wait3A_323 = arith.constant 0 : i32
      %dma_wait3A_324 = tpu.memref_slice %arg10[%dma_wait3A_322, %dma_wait3A_323] : memref<128x128xf32, #tpu.memory_space<vmem>> -> memref<128x128xf32, #tpu.memory_space<vmem>>
      %dma_wait3A_325 = arith.constant 0 : i32
      %dma_wait3A_326 = tpu.memref_slice %arg5[%add3A_321, %dma_wait3A_325] : memref<50x128xi32, #tpu.memory_space<vmem>> -> memref<1x128xi32, #tpu.memory_space<vmem>>
      %dma_wait3A_327 = tpu.memref_squeeze %dma_wait3A_326 : memref<1x128xi32, #tpu.memory_space<vmem>> -> memref<128xi32, #tpu.memory_space<vmem>>
      %dma_wait3A_328 = arith.constant 0 : i32
      %dma_wait3A_329 = arith.constant 0 : i32
      %dma_wait3A_330 = tpu.memref_slice %arg3[%dma_wait3A_328, %dma_wait3A_329] : memref<100032x128xf32, #tpu.memory_space<hbm>> -> memref<100032x128xf32, #tpu.memory_space<hbm>>
      tpu.wait_indirect_dma semaphore(%arg17 : memref<!tpu.dma_semaphore, #tpu.memory_space<semaphore_mem>>) src(%dma_wait3A_330 : memref<100032x128xf32, #tpu.memory_space<hbm>>) dst(%dma_wait3A_324 : memref<128x128xf32, #tpu.memory_space<vmem>>)
      %mul3A_331 = arith.constant 128 : i32
      %mul3A_332 = arith.muli %add3A_317, %mul3A_331 : i32
      %add3A_333 = arith.addi %mul3A_2, %mul3A_332 : i32
      %dma_start3A_334 = arith.constant 0 : i32
      %dma_start3A_335 = tpu.memref_slice %arg4[%add3A_333, %dma_start3A_334] : memref<204800x128xf32, #tpu.memory_space<hbm>> -> memref<128x128xf32, #tpu.memory_space<hbm>>
      %dma_start3A_336 = arith.constant 0 : i32
      %dma_start3A_337 = tpu.memref_slice %arg4[%add3A_333, %dma_start3A_336] : memref<204800x128xf32, #tpu.memory_space<hbm>> -> memref<128x128xf32, #tpu.memory_space<hbm>>
      tpu.enqueue_dma source(%arg10 : memref<128x128xf32, #tpu.memory_space<vmem>>) target(%dma_start3A_337 : memref<128x128xf32, #tpu.memory_space<hbm>>) target_semaphore(%arg24 : memref<!tpu.dma_semaphore, #tpu.memory_space<semaphore_mem>>)
      %add3A_338 = arith.constant 4 : i32
      %add3A_339 = arith.addi %add3A_317, %add3A_338 : i32
      %sub3A_340 = arith.constant 7 : i32
      %sub3A_341 = arith.subi %add3A_339, %sub3A_340 : i32
      %mul3A_342 = arith.constant 128 : i32
      %mul3A_343 = arith.muli %sub3A_341, %mul3A_342 : i32
      %add3A_344 = arith.addi %mul3A_2, %mul3A_343 : i32
      %dma_wait3A_345 = arith.constant 0 : i32
      %dma_wait3A_346 = tpu.memref_slice %arg4[%add3A_344, %dma_wait3A_345] : memref<204800x128xf32, #tpu.memory_space<hbm>> -> memref<128x128xf32, #tpu.memory_space<hbm>>
      %dma_wait3A_347 = arith.constant 0 : i32
      %dma_wait3A_348 = tpu.memref_slice %arg4[%add3A_344, %dma_wait3A_347] : memref<204800x128xf32, #tpu.memory_space<hbm>> -> memref<128x128xf32, #tpu.memory_space<hbm>>
      tpu.wait_dma2 semaphore(%arg21 : memref<!tpu.dma_semaphore, #tpu.memory_space<semaphore_mem>>) src(%arg7 : memref<128x128xf32, #tpu.memory_space<vmem>>) dst(%dma_wait3A_348 : memref<128x128xf32, #tpu.memory_space<hbm>>)
      %add3A_349 = arith.constant 4 : i32
      %add3A_350 = arith.addi %add3A_317, %add3A_349 : i32
      %mul3A_351 = arith.constant 1 : i32
      %mul3A_352 = arith.muli %add3A_350, %mul3A_351 : i32
      %add3A_353 = arith.constant 0 : i32
      %add3A_354 = arith.addi %mul3A_352, %add3A_353 : i32
      %dma_start3A_355 = arith.constant 0 : i32
      %dma_start3A_356 = arith.constant 0 : i32
      %dma_start3A_357 = tpu.memref_slice %arg7[%dma_start3A_355, %dma_start3A_356] : memref<128x128xf32, #tpu.memory_space<vmem>> -> memref<128x128xf32, #tpu.memory_space<vmem>>
      %dma_start3A_358 = arith.constant 0 : i32
      %dma_start3A_359 = tpu.memref_slice %arg5[%add3A_354, %dma_start3A_358] : memref<50x128xi32, #tpu.memory_space<vmem>> -> memref<1x128xi32, #tpu.memory_space<vmem>>
      %dma_start3A_360 = tpu.memref_squeeze %dma_start3A_359 : memref<1x128xi32, #tpu.memory_space<vmem>> -> memref<128xi32, #tpu.memory_space<vmem>>
      %dma_start3A_361 = arith.constant 0 : i32
      %dma_start3A_362 = arith.constant 0 : i32
      %dma_start3A_363 = tpu.memref_slice %arg3[%dma_start3A_361, %dma_start3A_362] : memref<100032x128xf32, #tpu.memory_space<hbm>> -> memref<100032x128xf32, #tpu.memory_space<hbm>>
      tpu.enqueue_indirect_dma source(%dma_start3A_363 : memref<100032x128xf32, #tpu.memory_space<hbm>>) target(%dma_start3A_357 : memref<128x128xf32, #tpu.memory_space<vmem>>) offsets(%dma_start3A_360 : memref<128xi32, #tpu.memory_space<vmem>>) semaphore(%arg14 : memref<!tpu.dma_semaphore, #tpu.memory_space<semaphore_mem>>)
      %add3A_364 = arith.constant 2 : i32
      %add3A_365 = arith.addi %add3A_268, %add3A_364 : i32
      %mul3A_366 = arith.constant 1 : i32
      %mul3A_367 = arith.muli %add3A_365, %mul3A_366 : i32
      %add3A_368 = arith.constant 0 : i32
      %add3A_369 = arith.addi %mul3A_367, %add3A_368 : i32
      %dma_wait3A_370 = arith.constant 0 : i32
      %dma_wait3A_371 = arith.constant 0 : i32
      %dma_wait3A_372 = tpu.memref_slice %arg11[%dma_wait3A_370, %dma_wait3A_371] : memref<128x128xf32, #tpu.memory_space<vmem>> -> memref<128x128xf32, #tpu.memory_space<vmem>>
      %dma_wait3A_373 = arith.constant 0 : i32
      %dma_wait3A_374 = tpu.memref_slice %arg5[%add3A_369, %dma_wait3A_373] : memref<50x128xi32, #tpu.memory_space<vmem>> -> memref<1x128xi32, #tpu.memory_space<vmem>>
      %dma_wait3A_375 = tpu.memref_squeeze %dma_wait3A_374 : memref<1x128xi32, #tpu.memory_space<vmem>> -> memref<128xi32, #tpu.memory_space<vmem>>
      %dma_wait3A_376 = arith.constant 0 : i32
      %dma_wait3A_377 = arith.constant 0 : i32
      %dma_wait3A_378 = tpu.memref_slice %arg3[%dma_wait3A_376, %dma_wait3A_377] : memref<100032x128xf32, #tpu.memory_space<hbm>> -> memref<100032x128xf32, #tpu.memory_space<hbm>>
      tpu.wait_indirect_dma semaphore(%arg18 : memref<!tpu.dma_semaphore, #tpu.memory_space<semaphore_mem>>) src(%dma_wait3A_378 : memref<100032x128xf32, #tpu.memory_space<hbm>>) dst(%dma_wait3A_372 : memref<128x128xf32, #tpu.memory_space<vmem>>)
      %mul3A_379 = arith.constant 128 : i32
      %mul3A_380 = arith.muli %add3A_365, %mul3A_379 : i32
      %add3A_381 = arith.addi %mul3A_2, %mul3A_380 : i32
      %dma_start3A_382 = arith.constant 0 : i32
      %dma_start3A_383 = tpu.memref_slice %arg4[%add3A_381, %dma_start3A_382] : memref<204800x128xf32, #tpu.memory_space<hbm>> -> memref<128x128xf32, #tpu.memory_space<hbm>>
      %dma_start3A_384 = arith.constant 0 : i32
      %dma_start3A_385 = tpu.memref_slice %arg4[%add3A_381, %dma_start3A_384] : memref<204800x128xf32, #tpu.memory_space<hbm>> -> memref<128x128xf32, #tpu.memory_space<hbm>>
      tpu.enqueue_dma source(%arg11 : memref<128x128xf32, #tpu.memory_space<vmem>>) target(%dma_start3A_385 : memref<128x128xf32, #tpu.memory_space<hbm>>) target_semaphore(%arg25 : memref<!tpu.dma_semaphore, #tpu.memory_space<semaphore_mem>>)
      %add3A_386 = arith.constant 4 : i32
      %add3A_387 = arith.addi %add3A_365, %add3A_386 : i32
      %sub3A_388 = arith.constant 7 : i32
      %sub3A_389 = arith.subi %add3A_387, %sub3A_388 : i32
      %mul3A_390 = arith.constant 128 : i32
      %mul3A_391 = arith.muli %sub3A_389, %mul3A_390 : i32
      %add3A_392 = arith.addi %mul3A_2, %mul3A_391 : i32
      %dma_wait3A_393 = arith.constant 0 : i32
      %dma_wait3A_394 = tpu.memref_slice %arg4[%add3A_392, %dma_wait3A_393] : memref<204800x128xf32, #tpu.memory_space<hbm>> -> memref<128x128xf32, #tpu.memory_space<hbm>>
      %dma_wait3A_395 = arith.constant 0 : i32
      %dma_wait3A_396 = tpu.memref_slice %arg4[%add3A_392, %dma_wait3A_395] : memref<204800x128xf32, #tpu.memory_space<hbm>> -> memref<128x128xf32, #tpu.memory_space<hbm>>
      tpu.wait_dma2 semaphore(%arg22 : memref<!tpu.dma_semaphore, #tpu.memory_space<semaphore_mem>>) src(%arg8 : memref<128x128xf32, #tpu.memory_space<vmem>>) dst(%dma_wait3A_396 : memref<128x128xf32, #tpu.memory_space<hbm>>)
      %add3A_397 = arith.constant 4 : i32
      %add3A_398 = arith.addi %add3A_365, %add3A_397 : i32
      %mul3A_399 = arith.constant 1 : i32
      %mul3A_400 = arith.muli %add3A_398, %mul3A_399 : i32
      %add3A_401 = arith.constant 0 : i32
      %add3A_402 = arith.addi %mul3A_400, %add3A_401 : i32
      %dma_start3A_403 = arith.constant 0 : i32
      %dma_start3A_404 = arith.constant 0 : i32
      %dma_start3A_405 = tpu.memref_slice %arg8[%dma_start3A_403, %dma_start3A_404] : memref<128x128xf32, #tpu.memory_space<vmem>> -> memref<128x128xf32, #tpu.memory_space<vmem>>
      %dma_start3A_406 = arith.constant 0 : i32
      %dma_start3A_407 = tpu.memref_slice %arg5[%add3A_402, %dma_start3A_406] : memref<50x128xi32, #tpu.memory_space<vmem>> -> memref<1x128xi32, #tpu.memory_space<vmem>>
      %dma_start3A_408 = tpu.memref_squeeze %dma_start3A_407 : memref<1x128xi32, #tpu.memory_space<vmem>> -> memref<128xi32, #tpu.memory_space<vmem>>
      %dma_start3A_409 = arith.constant 0 : i32
      %dma_start3A_410 = arith.constant 0 : i32
      %dma_start3A_411 = tpu.memref_slice %arg3[%dma_start3A_409, %dma_start3A_410] : memref<100032x128xf32, #tpu.memory_space<hbm>> -> memref<100032x128xf32, #tpu.memory_space<hbm>>
      tpu.enqueue_indirect_dma source(%dma_start3A_411 : memref<100032x128xf32, #tpu.memory_space<hbm>>) target(%dma_start3A_405 : memref<128x128xf32, #tpu.memory_space<vmem>>) offsets(%dma_start3A_408 : memref<128xi32, #tpu.memory_space<vmem>>) semaphore(%arg15 : memref<!tpu.dma_semaphore, #tpu.memory_space<semaphore_mem>>)
      %add3A_412 = arith.constant 3 : i32
      %add3A_413 = arith.addi %add3A_268, %add3A_412 : i32
      %mul3A_414 = arith.constant 1 : i32
      %mul3A_415 = arith.muli %add3A_413, %mul3A_414 : i32
      %add3A_416 = arith.constant 0 : i32
      %add3A_417 = arith.addi %mul3A_415, %add3A_416 : i32
      %dma_wait3A_418 = arith.constant 0 : i32
      %dma_wait3A_419 = arith.constant 0 : i32
      %dma_wait3A_420 = tpu.memref_slice %arg12[%dma_wait3A_418, %dma_wait3A_419] : memref<128x128xf32, #tpu.memory_space<vmem>> -> memref<128x128xf32, #tpu.memory_space<vmem>>
      %dma_wait3A_421 = arith.constant 0 : i32
      %dma_wait3A_422 = tpu.memref_slice %arg5[%add3A_417, %dma_wait3A_421] : memref<50x128xi32, #tpu.memory_space<vmem>> -> memref<1x128xi32, #tpu.memory_space<vmem>>
      %dma_wait3A_423 = tpu.memref_squeeze %dma_wait3A_422 : memref<1x128xi32, #tpu.memory_space<vmem>> -> memref<128xi32, #tpu.memory_space<vmem>>
      %dma_wait3A_424 = arith.constant 0 : i32
      %dma_wait3A_425 = arith.constant 0 : i32
      %dma_wait3A_426 = tpu.memref_slice %arg3[%dma_wait3A_424, %dma_wait3A_425] : memref<100032x128xf32, #tpu.memory_space<hbm>> -> memref<100032x128xf32, #tpu.memory_space<hbm>>
      tpu.wait_indirect_dma semaphore(%arg19 : memref<!tpu.dma_semaphore, #tpu.memory_space<semaphore_mem>>) src(%dma_wait3A_426 : memref<100032x128xf32, #tpu.memory_space<hbm>>) dst(%dma_wait3A_420 : memref<128x128xf32, #tpu.memory_space<vmem>>)
      %mul3A_427 = arith.constant 128 : i32
      %mul3A_428 = arith.muli %add3A_413, %mul3A_427 : i32
      %add3A_429 = arith.addi %mul3A_2, %mul3A_428 : i32
      %dma_start3A_430 = arith.constant 0 : i32
      %dma_start3A_431 = tpu.memref_slice %arg4[%add3A_429, %dma_start3A_430] : memref<204800x128xf32, #tpu.memory_space<hbm>> -> memref<128x128xf32, #tpu.memory_space<hbm>>
      %dma_start3A_432 = arith.constant 0 : i32
      %dma_start3A_433 = tpu.memref_slice %arg4[%add3A_429, %dma_start3A_432] : memref<204800x128xf32, #tpu.memory_space<hbm>> -> memref<128x128xf32, #tpu.memory_space<hbm>>
      tpu.enqueue_dma source(%arg12 : memref<128x128xf32, #tpu.memory_space<vmem>>) target(%dma_start3A_433 : memref<128x128xf32, #tpu.memory_space<hbm>>) target_semaphore(%arg26 : memref<!tpu.dma_semaphore, #tpu.memory_space<semaphore_mem>>)
      %add3A_434 = arith.constant 4 : i32
      %add3A_435 = arith.addi %add3A_413, %add3A_434 : i32
      %sub3A_436 = arith.constant 7 : i32
      %sub3A_437 = arith.subi %add3A_435, %sub3A_436 : i32
      %mul3A_438 = arith.constant 128 : i32
      %mul3A_439 = arith.muli %sub3A_437, %mul3A_438 : i32
      %add3A_440 = arith.addi %mul3A_2, %mul3A_439 : i32
      %dma_wait3A_441 = arith.constant 0 : i32
      %dma_wait3A_442 = tpu.memref_slice %arg4[%add3A_440, %dma_wait3A_441] : memref<204800x128xf32, #tpu.memory_space<hbm>> -> memref<128x128xf32, #tpu.memory_space<hbm>>
      %dma_wait3A_443 = arith.constant 0 : i32
      %dma_wait3A_444 = tpu.memref_slice %arg4[%add3A_440, %dma_wait3A_443] : memref<204800x128xf32, #tpu.memory_space<hbm>> -> memref<128x128xf32, #tpu.memory_space<hbm>>
      tpu.wait_dma2 semaphore(%arg23 : memref<!tpu.dma_semaphore, #tpu.memory_space<semaphore_mem>>) src(%arg9 : memref<128x128xf32, #tpu.memory_space<vmem>>) dst(%dma_wait3A_444 : memref<128x128xf32, #tpu.memory_space<hbm>>)
      %add3A_445 = arith.constant 4 : i32
      %add3A_446 = arith.addi %add3A_413, %add3A_445 : i32
      %mul3A_447 = arith.constant 1 : i32
      %mul3A_448 = arith.muli %add3A_446, %mul3A_447 : i32
      %add3A_449 = arith.constant 0 : i32
      %add3A_450 = arith.addi %mul3A_448, %add3A_449 : i32
      %dma_start3A_451 = arith.constant 0 : i32
      %dma_start3A_452 = arith.constant 0 : i32
      %dma_start3A_453 = tpu.memref_slice %arg9[%dma_start3A_451, %dma_start3A_452] : memref<128x128xf32, #tpu.memory_space<vmem>> -> memref<128x128xf32, #tpu.memory_space<vmem>>
      %dma_start3A_454 = arith.constant 0 : i32
      %dma_start3A_455 = tpu.memref_slice %arg5[%add3A_450, %dma_start3A_454] : memref<50x128xi32, #tpu.memory_space<vmem>> -> memref<1x128xi32, #tpu.memory_space<vmem>>
      %dma_start3A_456 = tpu.memref_squeeze %dma_start3A_455 : memref<1x128xi32, #tpu.memory_space<vmem>> -> memref<128xi32, #tpu.memory_space<vmem>>
      %dma_start3A_457 = arith.constant 0 : i32
      %dma_start3A_458 = arith.constant 0 : i32
      %dma_start3A_459 = tpu.memref_slice %arg3[%dma_start3A_457, %dma_start3A_458] : memref<100032x128xf32, #tpu.memory_space<hbm>> -> memref<100032x128xf32, #tpu.memory_space<hbm>>
      tpu.enqueue_indirect_dma source(%dma_start3A_459 : memref<100032x128xf32, #tpu.memory_space<hbm>>) target(%dma_start3A_453 : memref<128x128xf32, #tpu.memory_space<vmem>>) offsets(%dma_start3A_456 : memref<128xi32, #tpu.memory_space<vmem>>) semaphore(%arg16 : memref<!tpu.dma_semaphore, #tpu.memory_space<semaphore_mem>>)
      %add3A_460 = arith.constant 4 : i32
      %add3A_461 = arith.addi %add3A_268, %add3A_460 : i32
      %mul3A_462 = arith.constant 1 : i32
      %mul3A_463 = arith.muli %add3A_461, %mul3A_462 : i32
      %add3A_464 = arith.constant 0 : i32
      %add3A_465 = arith.addi %mul3A_463, %add3A_464 : i32
      %dma_wait3A_466 = arith.constant 0 : i32
      %dma_wait3A_467 = arith.constant 0 : i32
      %dma_wait3A_468 = tpu.memref_slice %arg6[%dma_wait3A_466, %dma_wait3A_467] : memref<128x128xf32, #tpu.memory_space<vmem>> -> memref<128x128xf32, #tpu.memory_space<vmem>>
      %dma_wait3A_469 = arith.constant 0 : i32
      %dma_wait3A_470 = tpu.memref_slice %arg5[%add3A_465, %dma_wait3A_469] : memref<50x128xi32, #tpu.memory_space<vmem>> -> memref<1x128xi32, #tpu.memory_space<vmem>>
      %dma_wait3A_471 = tpu.memref_squeeze %dma_wait3A_470 : memref<1x128xi32, #tpu.memory_space<vmem>> -> memref<128xi32, #tpu.memory_space<vmem>>
      %dma_wait3A_472 = arith.constant 0 : i32
      %dma_wait3A_473 = arith.constant 0 : i32
      %dma_wait3A_474 = tpu.memref_slice %arg3[%dma_wait3A_472, %dma_wait3A_473] : memref<100032x128xf32, #tpu.memory_space<hbm>> -> memref<100032x128xf32, #tpu.memory_space<hbm>>
      tpu.wait_indirect_dma semaphore(%arg13 : memref<!tpu.dma_semaphore, #tpu.memory_space<semaphore_mem>>) src(%dma_wait3A_474 : memref<100032x128xf32, #tpu.memory_space<hbm>>) dst(%dma_wait3A_468 : memref<128x128xf32, #tpu.memory_space<vmem>>)
      %mul3A_475 = arith.constant 128 : i32
      %mul3A_476 = arith.muli %add3A_461, %mul3A_475 : i32
      %add3A_477 = arith.addi %mul3A_2, %mul3A_476 : i32
      %dma_start3A_478 = arith.constant 0 : i32
      %dma_start3A_479 = tpu.memref_slice %arg4[%add3A_477, %dma_start3A_478] : memref<204800x128xf32, #tpu.memory_space<hbm>> -> memref<128x128xf32, #tpu.memory_space<hbm>>
      %dma_start3A_480 = arith.constant 0 : i32
      %dma_start3A_481 = tpu.memref_slice %arg4[%add3A_477, %dma_start3A_480] : memref<204800x128xf32, #tpu.memory_space<hbm>> -> memref<128x128xf32, #tpu.memory_space<hbm>>
      tpu.enqueue_dma source(%arg6 : memref<128x128xf32, #tpu.memory_space<vmem>>) target(%dma_start3A_481 : memref<128x128xf32, #tpu.memory_space<hbm>>) target_semaphore(%arg20 : memref<!tpu.dma_semaphore, #tpu.memory_space<semaphore_mem>>)
      %add3A_482 = arith.constant 4 : i32
      %add3A_483 = arith.addi %add3A_461, %add3A_482 : i32
      %sub3A_484 = arith.constant 7 : i32
      %sub3A_485 = arith.subi %add3A_483, %sub3A_484 : i32
      %mul3A_486 = arith.constant 128 : i32
      %mul3A_487 = arith.muli %sub3A_485, %mul3A_486 : i32
      %add3A_488 = arith.addi %mul3A_2, %mul3A_487 : i32
      %dma_wait3A_489 = arith.constant 0 : i32
      %dma_wait3A_490 = tpu.memref_slice %arg4[%add3A_488, %dma_wait3A_489] : memref<204800x128xf32, #tpu.memory_space<hbm>> -> memref<128x128xf32, #tpu.memory_space<hbm>>
      %dma_wait3A_491 = arith.constant 0 : i32
      %dma_wait3A_492 = tpu.memref_slice %arg4[%add3A_488, %dma_wait3A_491] : memref<204800x128xf32, #tpu.memory_space<hbm>> -> memref<128x128xf32, #tpu.memory_space<hbm>>
      tpu.wait_dma2 semaphore(%arg24 : memref<!tpu.dma_semaphore, #tpu.memory_space<semaphore_mem>>) src(%arg10 : memref<128x128xf32, #tpu.memory_space<vmem>>) dst(%dma_wait3A_492 : memref<128x128xf32, #tpu.memory_space<hbm>>)
      %add3A_493 = arith.constant 4 : i32
      %add3A_494 = arith.addi %add3A_461, %add3A_493 : i32
      %mul3A_495 = arith.constant 1 : i32
      %mul3A_496 = arith.muli %add3A_494, %mul3A_495 : i32
      %add3A_497 = arith.constant 0 : i32
      %add3A_498 = arith.addi %mul3A_496, %add3A_497 : i32
      %dma_start3A_499 = arith.constant 0 : i32
      %dma_start3A_500 = arith.constant 0 : i32
      %dma_start3A_501 = tpu.memref_slice %arg10[%dma_start3A_499, %dma_start3A_500] : memref<128x128xf32, #tpu.memory_space<vmem>> -> memref<128x128xf32, #tpu.memory_space<vmem>>
      %dma_start3A_502 = arith.constant 0 : i32
      %dma_start3A_503 = tpu.memref_slice %arg5[%add3A_498, %dma_start3A_502] : memref<50x128xi32, #tpu.memory_space<vmem>> -> memref<1x128xi32, #tpu.memory_space<vmem>>
      %dma_start3A_504 = tpu.memref_squeeze %dma_start3A_503 : memref<1x128xi32, #tpu.memory_space<vmem>> -> memref<128xi32, #tpu.memory_space<vmem>>
      %dma_start3A_505 = arith.constant 0 : i32
      %dma_start3A_506 = arith.constant 0 : i32
      %dma_start3A_507 = tpu.memref_slice %arg3[%dma_start3A_505, %dma_start3A_506] : memref<100032x128xf32, #tpu.memory_space<hbm>> -> memref<100032x128xf32, #tpu.memory_space<hbm>>
      tpu.enqueue_indirect_dma source(%dma_start3A_507 : memref<100032x128xf32, #tpu.memory_space<hbm>>) target(%dma_start3A_501 : memref<128x128xf32, #tpu.memory_space<vmem>>) offsets(%dma_start3A_504 : memref<128xi32, #tpu.memory_space<vmem>>) semaphore(%arg17 : memref<!tpu.dma_semaphore, #tpu.memory_space<semaphore_mem>>)
      %add3A_508 = arith.constant 5 : i32
      %add3A_509 = arith.addi %add3A_268, %add3A_508 : i32
      %mul3A_510 = arith.constant 1 : i32
      %mul3A_511 = arith.muli %add3A_509, %mul3A_510 : i32
      %add3A_512 = arith.constant 0 : i32
      %add3A_513 = arith.addi %mul3A_511, %add3A_512 : i32
      %dma_wait3A_514 = arith.constant 0 : i32
      %dma_wait3A_515 = arith.constant 0 : i32
      %dma_wait3A_516 = tpu.memref_slice %arg7[%dma_wait3A_514, %dma_wait3A_515] : memref<128x128xf32, #tpu.memory_space<vmem>> -> memref<128x128xf32, #tpu.memory_space<vmem>>
      %dma_wait3A_517 = arith.constant 0 : i32
      %dma_wait3A_518 = tpu.memref_slice %arg5[%add3A_513, %dma_wait3A_517] : memref<50x128xi32, #tpu.memory_space<vmem>> -> memref<1x128xi32, #tpu.memory_space<vmem>>
      %dma_wait3A_519 = tpu.memref_squeeze %dma_wait3A_518 : memref<1x128xi32, #tpu.memory_space<vmem>> -> memref<128xi32, #tpu.memory_space<vmem>>
      %dma_wait3A_520 = arith.constant 0 : i32
      %dma_wait3A_521 = arith.constant 0 : i32
      %dma_wait3A_522 = tpu.memref_slice %arg3[%dma_wait3A_520, %dma_wait3A_521] : memref<100032x128xf32, #tpu.memory_space<hbm>> -> memref<100032x128xf32, #tpu.memory_space<hbm>>
      tpu.wait_indirect_dma semaphore(%arg14 : memref<!tpu.dma_semaphore, #tpu.memory_space<semaphore_mem>>) src(%dma_wait3A_522 : memref<100032x128xf32, #tpu.memory_space<hbm>>) dst(%dma_wait3A_516 : memref<128x128xf32, #tpu.memory_space<vmem>>)
      %mul3A_523 = arith.constant 128 : i32
      %mul3A_524 = arith.muli %add3A_509, %mul3A_523 : i32
      %add3A_525 = arith.addi %mul3A_2, %mul3A_524 : i32
      %dma_start3A_526 = arith.constant 0 : i32
      %dma_start3A_527 = tpu.memref_slice %arg4[%add3A_525, %dma_start3A_526] : memref<204800x128xf32, #tpu.memory_space<hbm>> -> memref<128x128xf32, #tpu.memory_space<hbm>>
      %dma_start3A_528 = arith.constant 0 : i32
      %dma_start3A_529 = tpu.memref_slice %arg4[%add3A_525, %dma_start3A_528] : memref<204800x128xf32, #tpu.memory_space<hbm>> -> memref<128x128xf32, #tpu.memory_space<hbm>>
      tpu.enqueue_dma source(%arg7 : memref<128x128xf32, #tpu.memory_space<vmem>>) target(%dma_start3A_529 : memref<128x128xf32, #tpu.memory_space<hbm>>) target_semaphore(%arg21 : memref<!tpu.dma_semaphore, #tpu.memory_space<semaphore_mem>>)
      %add3A_530 = arith.constant 4 : i32
      %add3A_531 = arith.addi %add3A_509, %add3A_530 : i32
      %sub3A_532 = arith.constant 7 : i32
      %sub3A_533 = arith.subi %add3A_531, %sub3A_532 : i32
      %mul3A_534 = arith.constant 128 : i32
      %mul3A_535 = arith.muli %sub3A_533, %mul3A_534 : i32
      %add3A_536 = arith.addi %mul3A_2, %mul3A_535 : i32
      %dma_wait3A_537 = arith.constant 0 : i32
      %dma_wait3A_538 = tpu.memref_slice %arg4[%add3A_536, %dma_wait3A_537] : memref<204800x128xf32, #tpu.memory_space<hbm>> -> memref<128x128xf32, #tpu.memory_space<hbm>>
      %dma_wait3A_539 = arith.constant 0 : i32
      %dma_wait3A_540 = tpu.memref_slice %arg4[%add3A_536, %dma_wait3A_539] : memref<204800x128xf32, #tpu.memory_space<hbm>> -> memref<128x128xf32, #tpu.memory_space<hbm>>
      tpu.wait_dma2 semaphore(%arg25 : memref<!tpu.dma_semaphore, #tpu.memory_space<semaphore_mem>>) src(%arg11 : memref<128x128xf32, #tpu.memory_space<vmem>>) dst(%dma_wait3A_540 : memref<128x128xf32, #tpu.memory_space<hbm>>)
      %add3A_541 = arith.constant 4 : i32
      %add3A_542 = arith.addi %add3A_509, %add3A_541 : i32
      %mul3A_543 = arith.constant 1 : i32
      %mul3A_544 = arith.muli %add3A_542, %mul3A_543 : i32
      %add3A_545 = arith.constant 0 : i32
      %add3A_546 = arith.addi %mul3A_544, %add3A_545 : i32
      %dma_start3A_547 = arith.constant 0 : i32
      %dma_start3A_548 = arith.constant 0 : i32
      %dma_start3A_549 = tpu.memref_slice %arg11[%dma_start3A_547, %dma_start3A_548] : memref<128x128xf32, #tpu.memory_space<vmem>> -> memref<128x128xf32, #tpu.memory_space<vmem>>
      %dma_start3A_550 = arith.constant 0 : i32
      %dma_start3A_551 = tpu.memref_slice %arg5[%add3A_546, %dma_start3A_550] : memref<50x128xi32, #tpu.memory_space<vmem>> -> memref<1x128xi32, #tpu.memory_space<vmem>>
      %dma_start3A_552 = tpu.memref_squeeze %dma_start3A_551 : memref<1x128xi32, #tpu.memory_space<vmem>> -> memref<128xi32, #tpu.memory_space<vmem>>
      %dma_start3A_553 = arith.constant 0 : i32
      %dma_start3A_554 = arith.constant 0 : i32
      %dma_start3A_555 = tpu.memref_slice %arg3[%dma_start3A_553, %dma_start3A_554] : memref<100032x128xf32, #tpu.memory_space<hbm>> -> memref<100032x128xf32, #tpu.memory_space<hbm>>
      tpu.enqueue_indirect_dma source(%dma_start3A_555 : memref<100032x128xf32, #tpu.memory_space<hbm>>) target(%dma_start3A_549 : memref<128x128xf32, #tpu.memory_space<vmem>>) offsets(%dma_start3A_552 : memref<128xi32, #tpu.memory_space<vmem>>) semaphore(%arg18 : memref<!tpu.dma_semaphore, #tpu.memory_space<semaphore_mem>>)
      %add3A_556 = arith.constant 6 : i32
      %add3A_557 = arith.addi %add3A_268, %add3A_556 : i32
      %mul3A_558 = arith.constant 1 : i32
      %mul3A_559 = arith.muli %add3A_557, %mul3A_558 : i32
      %add3A_560 = arith.constant 0 : i32
      %add3A_561 = arith.addi %mul3A_559, %add3A_560 : i32
      %dma_wait3A_562 = arith.constant 0 : i32
      %dma_wait3A_563 = arith.constant 0 : i32
      %dma_wait3A_564 = tpu.memref_slice %arg8[%dma_wait3A_562, %dma_wait3A_563] : memref<128x128xf32, #tpu.memory_space<vmem>> -> memref<128x128xf32, #tpu.memory_space<vmem>>
      %dma_wait3A_565 = arith.constant 0 : i32
      %dma_wait3A_566 = tpu.memref_slice %arg5[%add3A_561, %dma_wait3A_565] : memref<50x128xi32, #tpu.memory_space<vmem>> -> memref<1x128xi32, #tpu.memory_space<vmem>>
      %dma_wait3A_567 = tpu.memref_squeeze %dma_wait3A_566 : memref<1x128xi32, #tpu.memory_space<vmem>> -> memref<128xi32, #tpu.memory_space<vmem>>
      %dma_wait3A_568 = arith.constant 0 : i32
      %dma_wait3A_569 = arith.constant 0 : i32
      %dma_wait3A_570 = tpu.memref_slice %arg3[%dma_wait3A_568, %dma_wait3A_569] : memref<100032x128xf32, #tpu.memory_space<hbm>> -> memref<100032x128xf32, #tpu.memory_space<hbm>>
      tpu.wait_indirect_dma semaphore(%arg15 : memref<!tpu.dma_semaphore, #tpu.memory_space<semaphore_mem>>) src(%dma_wait3A_570 : memref<100032x128xf32, #tpu.memory_space<hbm>>) dst(%dma_wait3A_564 : memref<128x128xf32, #tpu.memory_space<vmem>>)
      %mul3A_571 = arith.constant 128 : i32
      %mul3A_572 = arith.muli %add3A_557, %mul3A_571 : i32
      %add3A_573 = arith.addi %mul3A_2, %mul3A_572 : i32
      %dma_start3A_574 = arith.constant 0 : i32
      %dma_start3A_575 = tpu.memref_slice %arg4[%add3A_573, %dma_start3A_574] : memref<204800x128xf32, #tpu.memory_space<hbm>> -> memref<128x128xf32, #tpu.memory_space<hbm>>
      %dma_start3A_576 = arith.constant 0 : i32
      %dma_start3A_577 = tpu.memref_slice %arg4[%add3A_573, %dma_start3A_576] : memref<204800x128xf32, #tpu.memory_space<hbm>> -> memref<128x128xf32, #tpu.memory_space<hbm>>
      tpu.enqueue_dma source(%arg8 : memref<128x128xf32, #tpu.memory_space<vmem>>) target(%dma_start3A_577 : memref<128x128xf32, #tpu.memory_space<hbm>>) target_semaphore(%arg22 : memref<!tpu.dma_semaphore, #tpu.memory_space<semaphore_mem>>)
      %add3A_578 = arith.constant 4 : i32
      %add3A_579 = arith.addi %add3A_557, %add3A_578 : i32
      %sub3A_580 = arith.constant 7 : i32
      %sub3A_581 = arith.subi %add3A_579, %sub3A_580 : i32
      %mul3A_582 = arith.constant 128 : i32
      %mul3A_583 = arith.muli %sub3A_581, %mul3A_582 : i32
      %add3A_584 = arith.addi %mul3A_2, %mul3A_583 : i32
      %dma_wait3A_585 = arith.constant 0 : i32
      %dma_wait3A_586 = tpu.memref_slice %arg4[%add3A_584, %dma_wait3A_585] : memref<204800x128xf32, #tpu.memory_space<hbm>> -> memref<128x128xf32, #tpu.memory_space<hbm>>
      %dma_wait3A_587 = arith.constant 0 : i32
      %dma_wait3A_588 = tpu.memref_slice %arg4[%add3A_584, %dma_wait3A_587] : memref<204800x128xf32, #tpu.memory_space<hbm>> -> memref<128x128xf32, #tpu.memory_space<hbm>>
      tpu.wait_dma2 semaphore(%arg26 : memref<!tpu.dma_semaphore, #tpu.memory_space<semaphore_mem>>) src(%arg12 : memref<128x128xf32, #tpu.memory_space<vmem>>) dst(%dma_wait3A_588 : memref<128x128xf32, #tpu.memory_space<hbm>>)
      %add3A_589 = arith.constant 4 : i32
      %add3A_590 = arith.addi %add3A_557, %add3A_589 : i32
      %mul3A_591 = arith.constant 1 : i32
      %mul3A_592 = arith.muli %add3A_590, %mul3A_591 : i32
      %add3A_593 = arith.constant 0 : i32
      %add3A_594 = arith.addi %mul3A_592, %add3A_593 : i32
      %dma_start3A_595 = arith.constant 0 : i32
      %dma_start3A_596 = arith.constant 0 : i32
      %dma_start3A_597 = tpu.memref_slice %arg12[%dma_start3A_595, %dma_start3A_596] : memref<128x128xf32, #tpu.memory_space<vmem>> -> memref<128x128xf32, #tpu.memory_space<vmem>>
      %dma_start3A_598 = arith.constant 0 : i32
      %dma_start3A_599 = tpu.memref_slice %arg5[%add3A_594, %dma_start3A_598] : memref<50x128xi32, #tpu.memory_space<vmem>> -> memref<1x128xi32, #tpu.memory_space<vmem>>
      %dma_start3A_600 = tpu.memref_squeeze %dma_start3A_599 : memref<1x128xi32, #tpu.memory_space<vmem>> -> memref<128xi32, #tpu.memory_space<vmem>>
      %dma_start3A_601 = arith.constant 0 : i32
      %dma_start3A_602 = arith.constant 0 : i32
      %dma_start3A_603 = tpu.memref_slice %arg3[%dma_start3A_601, %dma_start3A_602] : memref<100032x128xf32, #tpu.memory_space<hbm>> -> memref<100032x128xf32, #tpu.memory_space<hbm>>
      tpu.enqueue_indirect_dma source(%dma_start3A_603 : memref<100032x128xf32, #tpu.memory_space<hbm>>) target(%dma_start3A_597 : memref<128x128xf32, #tpu.memory_space<vmem>>) offsets(%dma_start3A_600 : memref<128xi32, #tpu.memory_space<vmem>>) semaphore(%arg19 : memref<!tpu.dma_semaphore, #tpu.memory_space<semaphore_mem>>)
      %scan3A_604 = arith.constant 0 : i32
      scf.yield %scan3A_604 : i32
    }
    %scan3A_124 = arith.constant 6 : i32
    %dma_wait3A_125 = arith.constant 45 : i32
    %dma_wait3A_126 = arith.constant 0 : i32
    %dma_wait3A_127 = arith.constant 0 : i32
    %dma_wait3A_128 = tpu.memref_slice %arg9[%dma_wait3A_126, %dma_wait3A_127] : memref<128x128xf32, #tpu.memory_space<vmem>> -> memref<128x128xf32, #tpu.memory_space<vmem>>
    %dma_wait3A_129 = arith.constant 0 : i32
    %dma_wait3A_130 = tpu.memref_slice %arg5[%dma_wait3A_125, %dma_wait3A_129] : memref<50x128xi32, #tpu.memory_space<vmem>> -> memref<1x128xi32, #tpu.memory_space<vmem>>
    %dma_wait3A_131 = tpu.memref_squeeze %dma_wait3A_130 : memref<1x128xi32, #tpu.memory_space<vmem>> -> memref<128xi32, #tpu.memory_space<vmem>>
    %dma_wait3A_132 = arith.constant 0 : i32
    %dma_wait3A_133 = arith.constant 0 : i32
    %dma_wait3A_134 = tpu.memref_slice %arg3[%dma_wait3A_132, %dma_wait3A_133] : memref<100032x128xf32, #tpu.memory_space<hbm>> -> memref<100032x128xf32, #tpu.memory_space<hbm>>
    tpu.wait_indirect_dma semaphore(%arg16 : memref<!tpu.dma_semaphore, #tpu.memory_space<semaphore_mem>>) src(%dma_wait3A_134 : memref<100032x128xf32, #tpu.memory_space<hbm>>) dst(%dma_wait3A_128 : memref<128x128xf32, #tpu.memory_space<vmem>>)
    %add3A_135 = arith.constant 5760 : i32
    %add3A_136 = arith.addi %mul3A_2, %add3A_135 : i32
    %dma_start3A_137 = arith.constant 0 : i32
    %dma_start3A_138 = tpu.memref_slice %arg4[%add3A_136, %dma_start3A_137] : memref<204800x128xf32, #tpu.memory_space<hbm>> -> memref<128x128xf32, #tpu.memory_space<hbm>>
    %dma_start3A_139 = arith.constant 0 : i32
    %dma_start3A_140 = tpu.memref_slice %arg4[%add3A_136, %dma_start3A_139] : memref<204800x128xf32, #tpu.memory_space<hbm>> -> memref<128x128xf32, #tpu.memory_space<hbm>>
    tpu.enqueue_dma source(%arg9 : memref<128x128xf32, #tpu.memory_space<vmem>>) target(%dma_start3A_140 : memref<128x128xf32, #tpu.memory_space<hbm>>) target_semaphore(%arg23 : memref<!tpu.dma_semaphore, #tpu.memory_space<semaphore_mem>>)
    %add3A_141 = arith.constant 5376 : i32
    %add3A_142 = arith.addi %mul3A_2, %add3A_141 : i32
    %dma_wait3A_143 = arith.constant 0 : i32
    %dma_wait3A_144 = tpu.memref_slice %arg4[%add3A_142, %dma_wait3A_143] : memref<204800x128xf32, #tpu.memory_space<hbm>> -> memref<128x128xf32, #tpu.memory_space<hbm>>
    %dma_wait3A_145 = arith.constant 0 : i32
    %dma_wait3A_146 = tpu.memref_slice %arg4[%add3A_142, %dma_wait3A_145] : memref<204800x128xf32, #tpu.memory_space<hbm>> -> memref<128x128xf32, #tpu.memory_space<hbm>>
    tpu.wait_dma2 semaphore(%arg20 : memref<!tpu.dma_semaphore, #tpu.memory_space<semaphore_mem>>) src(%arg6 : memref<128x128xf32, #tpu.memory_space<vmem>>) dst(%dma_wait3A_146 : memref<128x128xf32, #tpu.memory_space<hbm>>)
    %dma_start3A_147 = arith.constant 49 : i32
    %dma_start3A_148 = arith.constant 0 : i32
    %dma_start3A_149 = arith.constant 0 : i32
    %dma_start3A_150 = tpu.memref_slice %arg6[%dma_start3A_148, %dma_start3A_149] : memref<128x128xf32, #tpu.memory_space<vmem>> -> memref<128x128xf32, #tpu.memory_space<vmem>>
    %dma_start3A_151 = arith.constant 0 : i32
    %dma_start3A_152 = tpu.memref_slice %arg5[%dma_start3A_147, %dma_start3A_151] : memref<50x128xi32, #tpu.memory_space<vmem>> -> memref<1x128xi32, #tpu.memory_space<vmem>>
    %dma_start3A_153 = tpu.memref_squeeze %dma_start3A_152 : memref<1x128xi32, #tpu.memory_space<vmem>> -> memref<128xi32, #tpu.memory_space<vmem>>
    %dma_start3A_154 = arith.constant 0 : i32
    %dma_start3A_155 = arith.constant 0 : i32
    %dma_start3A_156 = tpu.memref_slice %arg3[%dma_start3A_154, %dma_start3A_155] : memref<100032x128xf32, #tpu.memory_space<hbm>> -> memref<100032x128xf32, #tpu.memory_space<hbm>>
    tpu.enqueue_indirect_dma source(%dma_start3A_156 : memref<100032x128xf32, #tpu.memory_space<hbm>>) target(%dma_start3A_150 : memref<128x128xf32, #tpu.memory_space<vmem>>) offsets(%dma_start3A_153 : memref<128xi32, #tpu.memory_space<vmem>>) semaphore(%arg13 : memref<!tpu.dma_semaphore, #tpu.memory_space<semaphore_mem>>)
    %dma_wait3A_157 = arith.constant 46 : i32
    %dma_wait3A_158 = arith.constant 0 : i32
    %dma_wait3A_159 = arith.constant 0 : i32
    %dma_wait3A_160 = tpu.memref_slice %arg10[%dma_wait3A_158, %dma_wait3A_159] : memref<128x128xf32, #tpu.memory_space<vmem>> -> memref<128x128xf32, #tpu.memory_space<vmem>>
    %dma_wait3A_161 = arith.constant 0 : i32
    %dma_wait3A_162 = tpu.memref_slice %arg5[%dma_wait3A_157, %dma_wait3A_161] : memref<50x128xi32, #tpu.memory_space<vmem>> -> memref<1x128xi32, #tpu.memory_space<vmem>>
    %dma_wait3A_163 = tpu.memref_squeeze %dma_wait3A_162 : memref<1x128xi32, #tpu.memory_space<vmem>> -> memref<128xi32, #tpu.memory_space<vmem>>
    %dma_wait3A_164 = arith.constant 0 : i32
    %dma_wait3A_165 = arith.constant 0 : i32
    %dma_wait3A_166 = tpu.memref_slice %arg3[%dma_wait3A_164, %dma_wait3A_165] : memref<100032x128xf32, #tpu.memory_space<hbm>> -> memref<100032x128xf32, #tpu.memory_space<hbm>>
    tpu.wait_indirect_dma semaphore(%arg17 : memref<!tpu.dma_semaphore, #tpu.memory_space<semaphore_mem>>) src(%dma_wait3A_166 : memref<100032x128xf32, #tpu.memory_space<hbm>>) dst(%dma_wait3A_160 : memref<128x128xf32, #tpu.memory_space<vmem>>)
    %add3A_167 = arith.constant 5888 : i32
    %add3A_168 = arith.addi %mul3A_2, %add3A_167 : i32
    %dma_start3A_169 = arith.constant 0 : i32
    %dma_start3A_170 = tpu.memref_slice %arg4[%add3A_168, %dma_start3A_169] : memref<204800x128xf32, #tpu.memory_space<hbm>> -> memref<128x128xf32, #tpu.memory_space<hbm>>
    %dma_start3A_171 = arith.constant 0 : i32
    %dma_start3A_172 = tpu.memref_slice %arg4[%add3A_168, %dma_start3A_171] : memref<204800x128xf32, #tpu.memory_space<hbm>> -> memref<128x128xf32, #tpu.memory_space<hbm>>
    tpu.enqueue_dma source(%arg10 : memref<128x128xf32, #tpu.memory_space<vmem>>) target(%dma_start3A_172 : memref<128x128xf32, #tpu.memory_space<hbm>>) target_semaphore(%arg24 : memref<!tpu.dma_semaphore, #tpu.memory_space<semaphore_mem>>)
    %dma_wait3A_173 = arith.constant 47 : i32
    %dma_wait3A_174 = arith.constant 0 : i32
    %dma_wait3A_175 = arith.constant 0 : i32
    %dma_wait3A_176 = tpu.memref_slice %arg11[%dma_wait3A_174, %dma_wait3A_175] : memref<128x128xf32, #tpu.memory_space<vmem>> -> memref<128x128xf32, #tpu.memory_space<vmem>>
    %dma_wait3A_177 = arith.constant 0 : i32
    %dma_wait3A_178 = tpu.memref_slice %arg5[%dma_wait3A_173, %dma_wait3A_177] : memref<50x128xi32, #tpu.memory_space<vmem>> -> memref<1x128xi32, #tpu.memory_space<vmem>>
    %dma_wait3A_179 = tpu.memref_squeeze %dma_wait3A_178 : memref<1x128xi32, #tpu.memory_space<vmem>> -> memref<128xi32, #tpu.memory_space<vmem>>
    %dma_wait3A_180 = arith.constant 0 : i32
    %dma_wait3A_181 = arith.constant 0 : i32
    %dma_wait3A_182 = tpu.memref_slice %arg3[%dma_wait3A_180, %dma_wait3A_181] : memref<100032x128xf32, #tpu.memory_space<hbm>> -> memref<100032x128xf32, #tpu.memory_space<hbm>>
    tpu.wait_indirect_dma semaphore(%arg18 : memref<!tpu.dma_semaphore, #tpu.memory_space<semaphore_mem>>) src(%dma_wait3A_182 : memref<100032x128xf32, #tpu.memory_space<hbm>>) dst(%dma_wait3A_176 : memref<128x128xf32, #tpu.memory_space<vmem>>)
    %add3A_183 = arith.constant 6016 : i32
    %add3A_184 = arith.addi %mul3A_2, %add3A_183 : i32
    %dma_start3A_185 = arith.constant 0 : i32
    %dma_start3A_186 = tpu.memref_slice %arg4[%add3A_184, %dma_start3A_185] : memref<204800x128xf32, #tpu.memory_space<hbm>> -> memref<128x128xf32, #tpu.memory_space<hbm>>
    %dma_start3A_187 = arith.constant 0 : i32
    %dma_start3A_188 = tpu.memref_slice %arg4[%add3A_184, %dma_start3A_187] : memref<204800x128xf32, #tpu.memory_space<hbm>> -> memref<128x128xf32, #tpu.memory_space<hbm>>
    tpu.enqueue_dma source(%arg11 : memref<128x128xf32, #tpu.memory_space<vmem>>) target(%dma_start3A_188 : memref<128x128xf32, #tpu.memory_space<hbm>>) target_semaphore(%arg25 : memref<!tpu.dma_semaphore, #tpu.memory_space<semaphore_mem>>)
    %dma_wait3A_189 = arith.constant 48 : i32
    %dma_wait3A_190 = arith.constant 0 : i32
    %dma_wait3A_191 = arith.constant 0 : i32
    %dma_wait3A_192 = tpu.memref_slice %arg12[%dma_wait3A_190, %dma_wait3A_191] : memref<128x128xf32, #tpu.memory_space<vmem>> -> memref<128x128xf32, #tpu.memory_space<vmem>>
    %dma_wait3A_193 = arith.constant 0 : i32
    %dma_wait3A_194 = tpu.memref_slice %arg5[%dma_wait3A_189, %dma_wait3A_193] : memref<50x128xi32, #tpu.memory_space<vmem>> -> memref<1x128xi32, #tpu.memory_space<vmem>>
    %dma_wait3A_195 = tpu.memref_squeeze %dma_wait3A_194 : memref<1x128xi32, #tpu.memory_space<vmem>> -> memref<128xi32, #tpu.memory_space<vmem>>
    %dma_wait3A_196 = arith.constant 0 : i32
    %dma_wait3A_197 = arith.constant 0 : i32
    %dma_wait3A_198 = tpu.memref_slice %arg3[%dma_wait3A_196, %dma_wait3A_197] : memref<100032x128xf32, #tpu.memory_space<hbm>> -> memref<100032x128xf32, #tpu.memory_space<hbm>>
    tpu.wait_indirect_dma semaphore(%arg19 : memref<!tpu.dma_semaphore, #tpu.memory_space<semaphore_mem>>) src(%dma_wait3A_198 : memref<100032x128xf32, #tpu.memory_space<hbm>>) dst(%dma_wait3A_192 : memref<128x128xf32, #tpu.memory_space<vmem>>)
    %add3A_199 = arith.constant 6144 : i32
    %add3A_200 = arith.addi %mul3A_2, %add3A_199 : i32
    %dma_start3A_201 = arith.constant 0 : i32
    %dma_start3A_202 = tpu.memref_slice %arg4[%add3A_200, %dma_start3A_201] : memref<204800x128xf32, #tpu.memory_space<hbm>> -> memref<128x128xf32, #tpu.memory_space<hbm>>
    %dma_start3A_203 = arith.constant 0 : i32
    %dma_start3A_204 = tpu.memref_slice %arg4[%add3A_200, %dma_start3A_203] : memref<204800x128xf32, #tpu.memory_space<hbm>> -> memref<128x128xf32, #tpu.memory_space<hbm>>
    tpu.enqueue_dma source(%arg12 : memref<128x128xf32, #tpu.memory_space<vmem>>) target(%dma_start3A_204 : memref<128x128xf32, #tpu.memory_space<hbm>>) target_semaphore(%arg26 : memref<!tpu.dma_semaphore, #tpu.memory_space<semaphore_mem>>)
    %dma_wait3A_205 = arith.constant 49 : i32
    %dma_wait3A_206 = arith.constant 0 : i32
    %dma_wait3A_207 = arith.constant 0 : i32
    %dma_wait3A_208 = tpu.memref_slice %arg6[%dma_wait3A_206, %dma_wait3A_207] : memref<128x128xf32, #tpu.memory_space<vmem>> -> memref<128x128xf32, #tpu.memory_space<vmem>>
    %dma_wait3A_209 = arith.constant 0 : i32
    %dma_wait3A_210 = tpu.memref_slice %arg5[%dma_wait3A_205, %dma_wait3A_209] : memref<50x128xi32, #tpu.memory_space<vmem>> -> memref<1x128xi32, #tpu.memory_space<vmem>>
    %dma_wait3A_211 = tpu.memref_squeeze %dma_wait3A_210 : memref<1x128xi32, #tpu.memory_space<vmem>> -> memref<128xi32, #tpu.memory_space<vmem>>
    %dma_wait3A_212 = arith.constant 0 : i32
    %dma_wait3A_213 = arith.constant 0 : i32
    %dma_wait3A_214 = tpu.memref_slice %arg3[%dma_wait3A_212, %dma_wait3A_213] : memref<100032x128xf32, #tpu.memory_space<hbm>> -> memref<100032x128xf32, #tpu.memory_space<hbm>>
    tpu.wait_indirect_dma semaphore(%arg13 : memref<!tpu.dma_semaphore, #tpu.memory_space<semaphore_mem>>) src(%dma_wait3A_214 : memref<100032x128xf32, #tpu.memory_space<hbm>>) dst(%dma_wait3A_208 : memref<128x128xf32, #tpu.memory_space<vmem>>)
    %add3A_215 = arith.constant 6272 : i32
    %add3A_216 = arith.addi %mul3A_2, %add3A_215 : i32
    %dma_start3A_217 = arith.constant 0 : i32
    %dma_start3A_218 = tpu.memref_slice %arg4[%add3A_216, %dma_start3A_217] : memref<204800x128xf32, #tpu.memory_space<hbm>> -> memref<128x128xf32, #tpu.memory_space<hbm>>
    %dma_start3A_219 = arith.constant 0 : i32
    %dma_start3A_220 = tpu.memref_slice %arg4[%add3A_216, %dma_start3A_219] : memref<204800x128xf32, #tpu.memory_space<hbm>> -> memref<128x128xf32, #tpu.memory_space<hbm>>
    tpu.enqueue_dma source(%arg6 : memref<128x128xf32, #tpu.memory_space<vmem>>) target(%dma_start3A_220 : memref<128x128xf32, #tpu.memory_space<hbm>>) target_semaphore(%arg20 : memref<!tpu.dma_semaphore, #tpu.memory_space<semaphore_mem>>)
    %add3A_221 = arith.constant 5504 : i32
    %add3A_222 = arith.addi %mul3A_2, %add3A_221 : i32
    %dma_wait3A_223 = arith.constant 0 : i32
    %dma_wait3A_224 = tpu.memref_slice %arg4[%add3A_222, %dma_wait3A_223] : memref<204800x128xf32, #tpu.memory_space<hbm>> -> memref<128x128xf32, #tpu.memory_space<hbm>>
    %dma_wait3A_225 = arith.constant 0 : i32
    %dma_wait3A_226 = tpu.memref_slice %arg4[%add3A_222, %dma_wait3A_225] : memref<204800x128xf32, #tpu.memory_space<hbm>> -> memref<128x128xf32, #tpu.memory_space<hbm>>
    tpu.wait_dma2 semaphore(%arg21 : memref<!tpu.dma_semaphore, #tpu.memory_space<semaphore_mem>>) src(%arg7 : memref<128x128xf32, #tpu.memory_space<vmem>>) dst(%dma_wait3A_226 : memref<128x128xf32, #tpu.memory_space<hbm>>)
    %add3A_227 = arith.constant 5632 : i32
    %add3A_228 = arith.addi %mul3A_2, %add3A_227 : i32
    %dma_wait3A_229 = arith.constant 0 : i32
    %dma_wait3A_230 = tpu.memref_slice %arg4[%add3A_228, %dma_wait3A_229] : memref<204800x128xf32, #tpu.memory_space<hbm>> -> memref<128x128xf32, #tpu.memory_space<hbm>>
    %dma_wait3A_231 = arith.constant 0 : i32
    %dma_wait3A_232 = tpu.memref_slice %arg4[%add3A_228, %dma_wait3A_231] : memref<204800x128xf32, #tpu.memory_space<hbm>> -> memref<128x128xf32, #tpu.memory_space<hbm>>
    tpu.wait_dma2 semaphore(%arg22 : memref<!tpu.dma_semaphore, #tpu.memory_space<semaphore_mem>>) src(%arg8 : memref<128x128xf32, #tpu.memory_space<vmem>>) dst(%dma_wait3A_232 : memref<128x128xf32, #tpu.memory_space<hbm>>)
    %add3A_233 = arith.constant 5760 : i32
    %add3A_234 = arith.addi %mul3A_2, %add3A_233 : i32
    %dma_wait3A_235 = arith.constant 0 : i32
    %dma_wait3A_236 = tpu.memref_slice %arg4[%add3A_234, %dma_wait3A_235] : memref<204800x128xf32, #tpu.memory_space<hbm>> -> memref<128x128xf32, #tpu.memory_space<hbm>>
    %dma_wait3A_237 = arith.constant 0 : i32
    %dma_wait3A_238 = tpu.memref_slice %arg4[%add3A_234, %dma_wait3A_237] : memref<204800x128xf32, #tpu.memory_space<hbm>> -> memref<128x128xf32, #tpu.memory_space<hbm>>
    tpu.wait_dma2 semaphore(%arg23 : memref<!tpu.dma_semaphore, #tpu.memory_space<semaphore_mem>>) src(%arg9 : memref<128x128xf32, #tpu.memory_space<vmem>>) dst(%dma_wait3A_238 : memref<128x128xf32, #tpu.memory_space<hbm>>)
    %add3A_239 = arith.constant 5888 : i32
    %add3A_240 = arith.addi %mul3A_2, %add3A_239 : i32
    %dma_wait3A_241 = arith.constant 0 : i32
    %dma_wait3A_242 = tpu.memref_slice %arg4[%add3A_240, %dma_wait3A_241] : memref<204800x128xf32, #tpu.memory_space<hbm>> -> memref<128x128xf32, #tpu.memory_space<hbm>>
    %dma_wait3A_243 = arith.constant 0 : i32
    %dma_wait3A_244 = tpu.memref_slice %arg4[%add3A_240, %dma_wait3A_243] : memref<204800x128xf32, #tpu.memory_space<hbm>> -> memref<128x128xf32, #tpu.memory_space<hbm>>
    tpu.wait_dma2 semaphore(%arg24 : memref<!tpu.dma_semaphore, #tpu.memory_space<semaphore_mem>>) src(%arg10 : memref<128x128xf32, #tpu.memory_space<vmem>>) dst(%dma_wait3A_244 : memref<128x128xf32, #tpu.memory_space<hbm>>)
    %add3A_245 = arith.constant 6016 : i32
    %add3A_246 = arith.addi %mul3A_2, %add3A_245 : i32
    %dma_wait3A_247 = arith.constant 0 : i32
    %dma_wait3A_248 = tpu.memref_slice %arg4[%add3A_246, %dma_wait3A_247] : memref<204800x128xf32, #tpu.memory_space<hbm>> -> memref<128x128xf32, #tpu.memory_space<hbm>>
    %dma_wait3A_249 = arith.constant 0 : i32
    %dma_wait3A_250 = tpu.memref_slice %arg4[%add3A_246, %dma_wait3A_249] : memref<204800x128xf32, #tpu.memory_space<hbm>> -> memref<128x128xf32, #tpu.memory_space<hbm>>
    tpu.wait_dma2 semaphore(%arg25 : memref<!tpu.dma_semaphore, #tpu.memory_space<semaphore_mem>>) src(%arg11 : memref<128x128xf32, #tpu.memory_space<vmem>>) dst(%dma_wait3A_250 : memref<128x128xf32, #tpu.memory_space<hbm>>)
    %add3A_251 = arith.constant 6144 : i32
    %add3A_252 = arith.addi %mul3A_2, %add3A_251 : i32
    %dma_wait3A_253 = arith.constant 0 : i32
    %dma_wait3A_254 = tpu.memref_slice %arg4[%add3A_252, %dma_wait3A_253] : memref<204800x128xf32, #tpu.memory_space<hbm>> -> memref<128x128xf32, #tpu.memory_space<hbm>>
    %dma_wait3A_255 = arith.constant 0 : i32
    %dma_wait3A_256 = tpu.memref_slice %arg4[%add3A_252, %dma_wait3A_255] : memref<204800x128xf32, #tpu.memory_space<hbm>> -> memref<128x128xf32, #tpu.memory_space<hbm>>
    tpu.wait_dma2 semaphore(%arg26 : memref<!tpu.dma_semaphore, #tpu.memory_space<semaphore_mem>>) src(%arg12 : memref<128x128xf32, #tpu.memory_space<vmem>>) dst(%dma_wait3A_256 : memref<128x128xf32, #tpu.memory_space<hbm>>)
    %add3A_257 = arith.constant 6272 : i32
    %add3A_258 = arith.addi %mul3A_2, %add3A_257 : i32
    %dma_wait3A_259 = arith.constant 0 : i32
    %dma_wait3A_260 = tpu.memref_slice %arg4[%add3A_258, %dma_wait3A_259] : memref<204800x128xf32, #tpu.memory_space<hbm>> -> memref<128x128xf32, #tpu.memory_space<hbm>>
    %dma_wait3A_261 = arith.constant 0 : i32
    %dma_wait3A_262 = tpu.memref_slice %arg4[%add3A_258, %dma_wait3A_261] : memref<204800x128xf32, #tpu.memory_space<hbm>> -> memref<128x128xf32, #tpu.memory_space<hbm>>
    tpu.wait_dma2 semaphore(%arg20 : memref<!tpu.dma_semaphore, #tpu.memory_space<semaphore_mem>>) src(%arg6 : memref<128x128xf32, #tpu.memory_space<vmem>>) dst(%dma_wait3A_262 : memref<128x128xf32, #tpu.memory_space<hbm>>)
    return
  }
}

</mosaic_0001>

<sc_bundles>
// kernel: kernel.3.cloned.1.call-start
scs
__scs_entry_jumppad:
0x0: {  	(pc) =	sbr.rel $0x88, $3  }
0x1: {  	(tag) =	ssettag $0x0;
	lr =	simm.s32 $0x1  }
0x2: {  	[smem:$0x3F9F] =	sst lr;
	_ =	strace $0xD0000000  }
0x3: {  	_ = 	snop  }
0x4: {  	_ = 	snop  }
0x5: {  	_ = 	snop  }
0x6: {  	_ = 	snop  }
0x7: {  	_ = 	snop  }
__scs_overlays_trampoline_lowered:
0x8: {  	[smem:$0x3FAE] =	sst s0  }
0x9: {  	[smem:$0x3FAF] =	sst s1  }
0xa: {  	[smem:$0x3FB0] =	sst s2  }
0xb: {  	[smem:$0x3FB1] =	sst s3  }
0xc: {  	[smem:$0x3FB2] =	sst s4  }
0xd: {  	[smem:$0x3FB3] =	sst s5  }
0xe: {  	[smem:$0x3FB4] =	sst s6  }
0xf: {  	[smem:$0x3FB5] =	sst s7  }
0x10: {  	[smem:$0x3FB6] =	sst s8  }
0x11: {  	[smem:$0x3FB7] =	sst s9;
	s0 =	simm.s32 @!p0 $0x0  }
0x12: {  	s1 =	sld [smem:$0x3F9D];
	s0 =	simm.s32 @p0 $0x1  }
0x13: {  	[smem:$0x3FB8] =	sst s0;
	s0 =	simm.s32 @!p1 $0x0  }
0x14: {  	s2 =	sld [smem:$0x3F9C];
	s0 =	simm.s32 @p1 $0x1  }
0x15: {  	[smem:$0x3FB9] =	sst s0;
	s0 =	simm.s32 @!p2 $0x0  }
0x16: {  	s3 =	sld [smem:$0x3FDB];
	s0 =	simm.s32 @p2 $0x1  }
0x17: {  	s4 =	simm.s32 $0x1BF5;
	[smem:$0x3FBB] =	sst s0  }
0x18: {  	s0 =	sld [smem:$0x3F9E];
	_ =	swait.ge [sflag:s4], $0x0  }
0x19: {  	s7 =	sld [smem:$0x3F9F]  }
0x1a: {  	s8 =	sadd.s32 $0xFFFFE003, lr  }
0x1b: {  	s9 =	sadd.s32 $0xFFFFFEF7, lr;
	s5 =	simm.s32 $0xFFFFFFFF;
	p2 =	slt.u32 s8, $0xFFFFF086  }
0x1c: {  	p1 =	slt.u32 s9, $0xF7A;
	s5 =	simm.s32 @!p2 $0x0  }
0x1d: {  	s5 =	simm.s32 @p1 $0x1;
	p0 =	seq.s32 s7, s2  }
0x1e: {  	s7 =	smul.u32 @!p0 $0xF7A, s2;
	p2 =	seq.s32 @!p0 s5, $0x0  }
0x1f: {  	s9 =	smul.u32 $0xF7A, s1;
	s8 =	simm.s32 @!p0 $0x1BF5;
	p2 =	por !p2, p0  }
0x20: {  	[sflag:s8] =	ssyncset.s32 @!p0 $0xFFFFF086;
	s6 =	sadd.s32 @!p0 s3, s7;
	s7 =	simm.s32 @!p0 $0x108  }
0x21: {  	s3 =	sadd.s32 s3, s9;
	s6 =	sadd.s32 @!p0 $0x88, s6;
	s7 =	simm.s32 @p2 $0x1082  }
0x22: {  	[simem:s7], [sflag:s8] =	dma.local @!p0 [hbm:s6], $0xF7A  }
0x23: {  	s9 =	sor.u32 $0xD0000000, s2;
	s6 =	simm.s32 $0x108;
	_ =	swait.ge @!p0 [sflag:s8], $0x0  }
0x24: {  	s3 =	sadd.s32 $0x88, s3;
	s6 =	simm.s32 @!p1 $0x1082;
	[sflag:s4] =	ssyncset.s32 $0xFFFFF086  }
0x25: {  	[simem:s6], [sflag:s4] =	dma.local [hbm:s3], $0xF7A  }
0x26: {  	[smem:$0x3F9F] =	sst s1;
	(tag) =	ssettag s2;
	_ =	strace s9  }
0x27: {  	s1 =	sld [smem:$0x3FAF]  }
0x28: {  	s2 =	sld [smem:$0x3FB0]  }
0x29: {  	s4 =	sld [smem:$0x3FB2]  }
0x2a: {  	p0 =	seq.s32 s5, $0x0;
	s5 =	sld [smem:$0x3FB3]  }
0x2b: {  	s6 =	sld [smem:$0x3FB4]  }
0x2c: {  	s7 =	sld [smem:$0x3FB5]  }
0x2d: {  	s3 =	simm.s32 $0x108;
	s8 =	sld [smem:$0x3FB6]  }
0x2e: {  	s3 =	simm.s32 @!p0 $0x1082;
	s9 =	sld [smem:$0x3FB7]  }
0x2f: {  	lr =	sadd.s32 s0, s3;
	s0 =	sld [smem:$0x3FAE]  }
0x30: {  	s3 =	sld [smem:$0x3FB1]  }
0x31: {  	[smem:$0x3FBA] =	sst s10  }
0x32: {  	s10 =	sld [smem:$0x3FB8];
	_ =	sdelay $0x3  }
0x33: {  	p0 =	seq.s32 s10, $0x1;
	s10 =	sld [smem:$0x3FBA];
	_ =	sdelay $0x3  }
0x34: {  	[smem:$0x3FBA] =	sst s10  }
0x35: {  	s10 =	sld [smem:$0x3FB9];
	_ =	sdelay $0x3  }
0x36: {  	p1 =	seq.s32 s10, $0x1;
	s10 =	sld [smem:$0x3FBA];
	_ =	sdelay $0x3  }
0x37: {  	[smem:$0x3FBA] =	sst s10  }
0x38: {  	s10 =	sld [smem:$0x3FBB]  }
0x39: {  	_ = 	snop;
	(pc) =	sbr.ind lr, $3  }
0x3a: {  	_ = 	snop  }
0x3b: {  	_ = 	snop  }
0x3c: {  	p2 =	seq.s32 s10, $0x1;
	s10 =	sld [smem:$0x3FBA]  }
0x3d: {  	_ =	shalt  }
0x3e: {  	_ =	shalt  }
0x3f: {  	_ =	shalt  }
0x40: {  	_ =	shalt  }
0x41: {  	_ =	shalt  }
0x42: {  	_ =	shalt  }
0x43: {  	_ =	shalt  }
0x44: {  	_ =	shalt  }
0x45: {  	_ =	shalt  }
0x46: {  	_ =	shalt  }
0x47: {  	_ =	shalt  }
0x48: {  	_ =	shalt  }
0x49: {  	_ =	shalt  }
0x4a: {  	_ =	shalt  }
0x4b: {  	_ =	shalt  }
0x4c: {  	_ =	shalt  }
0x4d: {  	_ =	shalt  }
0x4e: {  	_ =	shalt  }
0x4f: {  	_ =	shalt  }
0x50: {  	_ =	shalt  }
0x51: {  	_ =	shalt  }
0x52: {  	_ =	shalt  }
0x53: {  	_ =	shalt  }
0x54: {  	_ =	shalt  }
0x55: {  	_ =	shalt  }
0x56: {  	_ =	shalt  }
0x57: {  	_ =	shalt  }
0x58: {  	_ =	shalt  }
0x59: {  	_ =	shalt  }
0x5a: {  	_ =	shalt  }
0x5b: {  	_ =	shalt  }
0x5c: {  	_ =	shalt  }
0x5d: {  	_ =	shalt  }
0x5e: {  	_ =	shalt  }
0x5f: {  	_ =	shalt  }
0x60: {  	_ =	shalt  }
0x61: {  	_ =	shalt  }
0x62: {  	_ =	shalt  }
0x63: {  	_ =	shalt  }
0x64: {  	_ =	shalt  }
0x65: {  	_ =	shalt  }
0x66: {  	_ =	shalt  }
0x67: {  	_ =	shalt  }
0x68: {  	_ =	shalt  }
0x69: {  	_ =	shalt  }
0x6a: {  	_ =	shalt  }
0x6b: {  	_ =	shalt  }
0x6c: {  	_ =	shalt  }
0x6d: {  	_ =	shalt  }
0x6e: {  	_ =	shalt  }
0x6f: {  	_ =	shalt  }
0x70: {  	_ =	shalt  }
0x71: {  	_ =	shalt  }
0x72: {  	_ =	shalt  }
0x73: {  	_ =	shalt  }
0x74: {  	_ =	shalt  }
0x75: {  	_ =	shalt  }
0x76: {  	_ =	shalt  }
0x77: {  	_ =	shalt  }
0x78: {  	_ =	shalt  }
0x79: {  	_ =	shalt  }
0x7a: {  	_ =	shalt  }
0x7b: {  	_ =	shalt  }
0x7c: {  	_ =	shalt  }
0x7d: {  	_ =	shalt  }
0x7e: {  	_ =	shalt  }
0x7f: {  	_ =	shalt  }
0x80: {  	_ =	shalt  }
0x81: {  	_ =	shalt  }
0x82: {  	_ =	shalt  }
0x83: {  	_ =	shalt  }
0x84: {  	_ =	shalt  }
0x85: {  	_ =	shalt  }
0x86: {  	_ =	shalt  }
0x87: {  	_ =	shalt  }
.Lfunc_end0:
.L_simem_size_0:
called_computation_lowered:
.L_overlay_start_0:
0x88: {  	s2 =	sld [smem:$0x3FD9]  }
0x89: {  	s3 =	sld [smem:$0x3FFE];
	_ =	sdelay $0x1  }
0x8a: {  	s1 =	srdreg.scid  }
0x8b: {  	s0 =	sand.u32 $0x1, s1  }
0x8c: {  	s17 =	sshll.u32 s0, $0xA;
	s2 =	sadd.s32 s3, s2  }
0x8d: {  	s2 =	sadd.s32 s2, s17  }
0x8e: {  	[smem:$0x3FC6] =	sst s2  }
0x8f: {  	_ = 	snop  }
0x90: {  	s2 =	sld [smem:$0x3FC8]  }
0x91: {  	s18 =	sld [smem:$0x3FD0];
	(tm) =	ssettm $0x1  }
0x92: {  	s4 =	sld [smem:$0x3FFB];
	_ =	sdelay $0x3  }
0x93: {  	_ =	strace s4  }
0x94: {  	s4 =	sld [smem:$0x3FFC];
	_ =	sdelay $0x3  }
0x95: {  	_ =	strace s4  }
0x96: {  	s4 =	sld [smem:$0x3FFD];
	_ =	sdelay $0x3  }
0x97: {  	_ =	strace s4  }
0x98: {  	_ =	strace $0x8FFFFFFF  }
0x99: {  	s19 =	sld [smem:$0x3FDB];
	_ =	sdelay $0x1  }
0x9a: {  	s5 =	simm.s32 $_scs_section_size  }
0x9b: {  	s6 =	simm.s32 $_size__tile_overlayer_lowered;
	s7 =	simm.s32 $_tile_overlayer_lowered  }
0x9c: {  	s22 =	simm.s32 $0x1BFF;
	s21 =	sshll.u32 s7, $0x1;
	s4 =	sadd.s32 s5, s19  }
0x9d: {  	s8 =	simm.s32 $0x0;
	s20 =	sshll.u32 s6, $0x1;
	s6 =	sadd.s32 s21, s4  }
0x9e: {  	[timem:s8], [sflag:s22] =	dma.local [hbm:s6], s20  }
0x9f: {  	_ =	swait.ge [sflag:s22], s20  }
0xa0: {  	s5 =	ssub.s32 $0x0, s20;
	[sflag:s22] =	ssyncset.done $0x0  }
0xa1: {  	[sflag:s22] =	ssyncadd.s32 s5;
	_ =	sdelay $0x1  }
0xa2: {  	s23 =	simm.s32 $0x1B8B  }
0xa3: {  	_ =	swait.ge [sflag:s23], $0x1  }
0xa4: {  	[sflag:s23] =	ssyncset.done $0x0  }
0xa5: {  	s25 =	simm.s32 $0x1B8E;
	s24 =	sld [smem:$0x3FFE];
	[sflag:s23] =	ssyncadd.s32 $0xFFFFFFFF  }
0xa6: {  	s26 =	simm.s32 $execute0_lowered;
	[smem:$0x3FD2] =	sst s25  }
0xa7: {  	s6 =	sshll.u32 s26, $0x1;
	_ =	strace $0x80000046;
	[dreg:$0x1] =	wrdreg $0xFFFFFFFF  }
0xa8: {  	s28 =	simm.s32 $_size_execute0_lowered;
	s4 =	sadd.s32 s4, s6;
	[dreg:$0x0] =	wrdreg $0x0  }
0xa9: {  	s6 =	sshll.u32 s28, $0x1;
	[dreg:$0x2] =	wrdreg s4  }
0xaa: {  	[dreg:$0x3] =	wrdreg s6  }
0xab: {  	[dreg:$0x4] =	wrdreg $0xC0  }
0xac: {  	_ =	task [dreg:s8], $0x5FFFF  }
0xad: {  	[dreg:$0x1] =	wrdreg $0xFFFFFFFF  }
0xae: {  	[dreg:$0x0] =	wrdreg $0x60  }
0xaf: {  	[dreg:$0x2] =	wrdreg s24  }
0xb0: {  	[dreg:$0x3] =	wrdreg s2  }
0xb1: {  	[dreg:$0x4] =	wrdreg s18  }
0xb2: {  	[dreg:$0x5] =	wrdreg $0x9  }
0xb3: {  	_ =	task.clear_ibuf [dreg:s8], $0x6FFFF;
	_ =	strace $0x90000046  }
0xb4: {  	s29 =	simm.s32 $0x9;
	_ =	strace $0x80000048  }
0xb5: {  	_ =	swait.ge [sflag:s29], $0x1  }
0xb6: {  	[sflag:s29] =	ssyncadd.s32 $0xFFFFFFFF  }
0xb7: {  	_ =	strace $0x90000048  }
0xb8: {  	_ =	sfence  }
0xb9: {  	s30 =	sld [smem:$0x0];
	_ =	sdelay $0x2  }
0xba: {  	s31 =	sshll.u32 s1, $0xD;
	s1 =	sshrl.u32 s1, $0x2  }
0xbb: {  	s3 =	sand.u32 $0x4000, s31;
	s1 =	sadd.s32 s1, s30  }
0xbc: {  	s0 =	sor.u32 s3, s0;
	s1 =	sshll.u32 s1, $0x11  }
0xbd: {  	s0 =	sor.u32 s1, s0  }
0xbe: {  	s0 =	sadd.s32 $0x8F2B, s0  }
0xbf: {  	[sflag:s0] =	ssyncadd.remote.s32 $0x1  }
0xc0: {  	_ =	sfence.sel $0xFFFF  }
0xc1: {  	[dreg:$0x0] =	wrdreg $0xFFFFFFFF;
	(pc) =	sbr.abs _section_cstart, $3  }
0xc2: {  	[dreg:$0x1] =	wrdreg $0xFFFFFFFF  }
0xc3: {  	_ =	task.clear_ibuf [dreg:s8], $0x2FFFF;
	_ =	strace $0x9FFFFFFF  }
0xc4: {  	(tm) =	ssettm $0x7FFFFFFF  }
0xc5: {  	_ =	shalt  }
tec
execute0_lowered:
.L_overlay_start_1:
0x0: {  	(tag) =	ssettag $0x1  }
0x1: {  	s0 =	rddreg [dreg:$0x0]  }
0x2: {  	s2 =	rddreg [dreg:$0x1];
	s1 =	srdreg.scid  }
0x3: {  	s9 =	stileid.u32;
	s4 =	rddreg [dreg:$0x2];
	s3 =	simm.s32 $0x0  }
0x4: {  	s15 =	simm.s32 $0xF;
	s16 =	simm.s32 $0x80;
	s28 =	simm.s32 $0x15C00  }
0x5: {  	s29 =	simm.s32 $0x2;
	s1 =	sand.u32 $0x1, s1;
	s5 =	sshll.u32 s9, $0x1  }
0x6: {  	s31 =	simm.s32 $0x19C00;
	s20 =	smul.u32 $0x32000, s9;
	s5 =	sor.u32 s1, s5  }
0x7: {  	s30 =	simm.s32 $0xA;
	s10 =	simm.s32 $0x0;
	s6 =	smul.u32 $0x380, s5  }
0x8: {  	[smem:$0x7FF] =	sst s3;
	s9 =	simm.s32 $0xE;
	s8 =	smul.u32 $0xC8000, s5  }
0x9: {  	_ =	strace $0x80000047;
	s7 =	ssub.s32 $0x2, s1;
	s5 =	smul.u32 $0x19000, s5  }
0xa: {  	s1 =	smul.u32 $0x19000, s1;
	s17 =	sshrl.u32 s7, $0x1;
	s0 =	sadd.s32 s6, s0  }
0xb: {  	s6 =	ssub.s32 s7, s17;
	s18 =	sshrl.u32 s8, $0x3;
	s19 =	sadd.s32 s4, s5  }
0xc: {  	s17 =	simm.s32 $0x1C00;
	s8 =	simm.s32 $0xD;
	s0 =	sadd.s32 $0x400, s0  }
0xd: {  	[dreg:$0x5] =	wrdreg s19;
	s7 =	sadd.s32 $0x800, s19;
	s26 =	smax.u32 s6, $0x1  }
0xe: {  	s19 =	simm.s32 $0x8;
	s6 =	simm.s32 $0xB;
	[dreg:$0x4] =	wrdreg s0  }
0xf: {  	s0 =	sadd.s32 s4, s18;
	[dreg:$0x6] =	wrdreg s7;
	s4 =	sadd.s32 s20, s4  }
0x10: {  	[dreg:$0xd] =	wrdreg s26;
	s18 =	simm.s32 $0x5C00;
	s21 =	sadd.s32 $0x1000, s0  }
0x11: {  	s20 =	simm.s32 $0x9C00;
	s22 =	sadd.s32 $0x16800, s0;
	[dreg:$0x7] =	wrdreg s21  }
0x12: {  	s26 =	simm.s32 $0x6;
	s23 =	sadd.s32 $0x17000, s0;
	[dreg:$0x8] =	wrdreg s22  }
0x13: {  	s7 =	simm.s32 $0xC;
	s24 =	sadd.s32 $0x17800, s0;
	[dreg:$0x9] =	wrdreg s23  }
0x14: {  	s25 =	sadd.s32 $0x18000, s0;
	s1 =	sadd.s32 s1, s4;
	[dreg:$0xa] =	wrdreg s24  }
0x15: {  	s0 =	sadd.s32 $0x18800, s0;
	s4 =	simm.s32 $0x7;
	[dreg:$0xb] =	wrdreg s25  }
0x16: {  	[dreg:$0xc] =	wrdreg s0;
	s14 =	sadd.s32 $0x2800, s1;
	s22 =	simm.s32 $0xDC00  }
0x17: {  	s24 =	simm.s32 $0x11C00;
	s25 =	simm.s32 $0x1;
	s1 =	simm.s32 $0x3  }
0x18: {  	s0 =	simm.s32 $0x4;
	s21 =	simm.s32 $0x5;
	s23 =	simm.s32 $0x9  }
.LBB2_1:
0x19: {  	s5 =	rddreg [dreg:$0x4]  }
0x1a: {  	[tilespmem:s3], [sflag:$0xF] =	stream.linear.gather [hbm4b:s5+s3], $0x1900, $0x38;
	[tilespmem:$0x1DC00] =	vst v63  }
0x1b: {  	_ =	swait.ge [sflag:s15], $0x1900  }
0x1c: {  	[sflag:s15] =	ssyncset.done $0x0  }
0x1d: {  	[sflag:s15] =	ssyncadd.s32 $0xFFFFE700  }
0x1e: {  	[tilespmem:s17], [sflag:$0x1] =	stream.indirect.gather [hbm4b:s2+s16], $0x80, s3, s16, $0xb8;
	[tilespmem:$0x1DC00] =	vst v63  }
0x1f: {  	_ = 	snop  }
0x20: {  	[tilespmem:s18], [sflag:$0x2] =	stream.indirect.gather [hbm4b:s2+s16], $0x80, s16, s16, $0xb8;
	[tilespmem:$0x1DC00] =	vst v63  }
0x21: {  	s12 =	simm.s32 $0x100  }
0x22: {  	[tilespmem:s20], [sflag:$0x3] =	stream.indirect.gather [hbm4b:s2+s16], $0x80, s12, s16, $0xb8;
	[tilespmem:$0x1DC00] =	vst v63  }
0x23: {  	s13 =	simm.s32 $0x180  }
0x24: {  	[tilespmem:s22], [sflag:$0x4] =	stream.indirect.gather [hbm4b:s2+s16], $0x80, s13, s16, $0xb8;
	[tilespmem:$0x1DC00] =	vst v63  }
0x25: {  	s11 =	simm.s32 $0x200  }
0x26: {  	[tilespmem:s24], [sflag:$0x5] =	stream.indirect.gather [hbm4b:s2+s16], $0x80, s11, s16, $0xb8;
	[tilespmem:$0x1DC00] =	vst v63  }
0x27: {  	_ =	swait.ge [sflag:s25], $0x4000  }
0x28: {  	[sflag:s25] =	ssyncset.done $0x0  }
0x29: {  	s12 =	rddreg [dreg:$0x5];
	[sflag:s25] =	ssyncadd.s32 $0xFFFFC000  }
0x2a: {  	[hbm4b:s12+s3] =	stream.linear.scatter [tilespmem:s17], [sflag:$0x8], $0x4000, $0x38;
	[tilespmem:$0x1DC00] =	vst v63  }
0x2b: {  	s13 =	simm.s32 $0x280  }
0x2c: {  	[tilespmem:s28], [sflag:$0x6] =	stream.indirect.gather [hbm4b:s2+s16], $0x80, s13, s16, $0xb8;
	[tilespmem:$0x1DC00] =	vst v63  }
0x2d: {  	_ =	swait.ge [sflag:s29], $0x4000  }
0x2e: {  	[sflag:s29] =	ssyncset.done $0x0  }
0x2f: {  	s11 =	rddreg [dreg:$0x6];
	[sflag:s29] =	ssyncadd.s32 $0xFFFFC000  }
0x30: {  	[hbm4b:s11+s3] =	stream.linear.scatter [tilespmem:s18], [sflag:$0x9], $0x4000, $0x38;
	[tilespmem:$0x1DC00] =	vst v63  }
0x31: {  	s12 =	simm.s32 $0x300  }
0x32: {  	[tilespmem:s31], [sflag:$0x7] =	stream.indirect.gather [hbm4b:s2+s16], $0x80, s12, s16, $0xb8;
	[tilespmem:$0x1DC00] =	vst v63  }
0x33: {  	_ =	swait.ge [sflag:s1], $0x4000  }
0x34: {  	[sflag:s1] =	ssyncset.done $0x0  }
0x35: {  	s13 =	rddreg [dreg:$0x7];
	[sflag:s1] =	ssyncadd.s32 $0xFFFFC000  }
0x36: {  	[hbm4b:s13+s3] =	stream.linear.scatter [tilespmem:s20], [sflag:$0xA], $0x4000, $0x38;
	[tilespmem:$0x1DC00] =	vst v63  }
0x37: {  	_ =	swait.ge [sflag:s0], $0x4000  }
0x38: {  	[sflag:s0] =	ssyncset.done $0x0  }
0x39: {  	s11 =	sadd.s32 $0xFFFFF000, s14;
	[sflag:s0] =	ssyncadd.s32 $0xFFFFC000  }
0x3a: {  	[hbm4b:s11+s3] =	stream.linear.scatter [tilespmem:s22], [sflag:$0xB], $0x4000, $0x38;
	[tilespmem:$0x1DC00] =	vst v63  }
0x3b: {  	_ =	swait.ge [sflag:s19], $0x4000  }
0x3c: {  	[sflag:s19] =	ssyncset.done $0x0  }
0x3d: {  	s12 =	simm.s32 $0x380;
	[sflag:s19] =	ssyncadd.s32 $0xFFFFC000  }
0x3e: {  	[tilespmem:s17], [sflag:$0x1] =	stream.indirect.gather [hbm4b:s2+s16], $0x80, s12, s16, $0xb8;
	[tilespmem:$0x1DC00] =	vst v63  }
0x3f: {  	_ =	swait.ge [sflag:s21], $0x4000  }
0x40: {  	[sflag:s21] =	ssyncset.done $0x0  }
0x41: {  	s13 =	sadd.s32 $0xFFFFF800, s14;
	[sflag:s21] =	ssyncadd.s32 $0xFFFFC000  }
0x42: {  	[hbm4b:s13+s3] =	stream.linear.scatter [tilespmem:s24], [sflag:$0xC], $0x4000, $0x38;
	[tilespmem:$0x1DC00] =	vst v63  }
0x43: {  	_ =	swait.ge [sflag:s23], $0x4000  }
0x44: {  	[sflag:s23] =	ssyncset.done $0x0  }
0x45: {  	s11 =	simm.s32 $0x400;
	[sflag:s23] =	ssyncadd.s32 $0xFFFFC000  }
0x46: {  	[tilespmem:s18], [sflag:$0x2] =	stream.indirect.gather [hbm4b:s2+s16], $0x80, s11, s16, $0xb8;
	[tilespmem:$0x1DC00] =	vst v63  }
0x47: {  	_ =	swait.ge [sflag:s26], $0x4000  }
0x48: {  	[sflag:s26] =	ssyncset.done $0x0  }
0x49: {  	[sflag:s26] =	ssyncadd.s32 $0xFFFFC000  }
0x4a: {  	[hbm4b:s14+s3] =	stream.linear.scatter [tilespmem:s28], [sflag:$0xD], $0x4000, $0x38;
	[tilespmem:$0x1DC00] =	vst v63  }
0x4b: {  	_ =	swait.ge [sflag:s30], $0x4000  }
0x4c: {  	[sflag:s30] =	ssyncset.done $0x0  }
0x4d: {  	s12 =	simm.s32 $0x480;
	[sflag:s30] =	ssyncadd.s32 $0xFFFFC000  }
0x4e: {  	[tilespmem:s20], [sflag:$0x3] =	stream.indirect.gather [hbm4b:s2+s16], $0x80, s12, s16, $0xb8;
	[tilespmem:$0x1DC00] =	vst v63  }
0x4f: {  	_ =	swait.ge [sflag:s4], $0x4000  }
0x50: {  	[sflag:s4] =	ssyncset.done $0x0  }
0x51: {  	s13 =	sadd.s32 $0x800, s14;
	[sflag:s4] =	ssyncadd.s32 $0xFFFFC000  }
0x52: {  	[hbm4b:s13+s3] =	stream.linear.scatter [tilespmem:s31], [sflag:$0xE], $0x4000, $0x38;
	[tilespmem:$0x1DC00] =	vst v63  }
0x53: {  	_ =	swait.ge [sflag:s6], $0x4000  }
0x54: {  	[sflag:s6] =	ssyncset.done $0x0  }
0x55: {  	s11 =	simm.s32 $0x500;
	[sflag:s6] =	ssyncadd.s32 $0xFFFFC000  }
0x56: {  	[tilespmem:s22], [sflag:$0x4] =	stream.indirect.gather [hbm4b:s2+s16], $0x80, s11, s16, $0xb8;
	[tilespmem:$0x1DC00] =	vst v63  }
0x57: {  	_ =	swait.ge [sflag:s25], $0x4000  }
0x58: {  	[sflag:s25] =	ssyncset.done $0x0  }
0x59: {  	s12 =	sadd.s32 $0x1000, s14;
	[sflag:s25] =	ssyncadd.s32 $0xFFFFC000  }
0x5a: {  	[hbm4b:s12+s3] =	stream.linear.scatter [tilespmem:s17], [sflag:$0x8], $0x4000, $0x38;
	[tilespmem:$0x1DC00] =	vst v63  }
0x5b: {  	_ =	swait.ge [sflag:s7], $0x4000  }
0x5c: {  	[sflag:s7] =	ssyncset.done $0x0  }
0x5d: {  	s13 =	simm.s32 $0x580;
	[sflag:s7] =	ssyncadd.s32 $0xFFFFC000  }
0x5e: {  	[tilespmem:s24], [sflag:$0x5] =	stream.indirect.gather [hbm4b:s2+s16], $0x80, s13, s16, $0xb8;
	[tilespmem:$0x1DC00] =	vst v63  }
0x5f: {  	_ =	swait.ge [sflag:s29], $0x4000  }
0x60: {  	[sflag:s29] =	ssyncset.done $0x0  }
0x61: {  	s11 =	sadd.s32 $0x1800, s14;
	[sflag:s29] =	ssyncadd.s32 $0xFFFFC000  }
0x62: {  	[hbm4b:s11+s3] =	stream.linear.scatter [tilespmem:s18], [sflag:$0x9], $0x4000, $0x38;
	[tilespmem:$0x1DC00] =	vst v63  }
0x63: {  	_ =	swait.ge [sflag:s8], $0x4000  }
0x64: {  	[sflag:s8] =	ssyncset.done $0x0  }
0x65: {  	s12 =	simm.s32 $0x600;
	[sflag:s8] =	ssyncadd.s32 $0xFFFFC000  }
0x66: {  	[tilespmem:s28], [sflag:$0x6] =	stream.indirect.gather [hbm4b:s2+s16], $0x80, s12, s16, $0xb8;
	[tilespmem:$0x1DC00] =	vst v63  }
0x67: {  	_ =	swait.ge [sflag:s1], $0x4000  }
0x68: {  	[sflag:s1] =	ssyncset.done $0x0  }
0x69: {  	s13 =	sadd.s32 $0x2000, s14;
	[sflag:s1] =	ssyncadd.s32 $0xFFFFC000  }
0x6a: {  	[hbm4b:s13+s3] =	stream.linear.scatter [tilespmem:s20], [sflag:$0xA], $0x4000, $0x38;
	[tilespmem:$0x1DC00] =	vst v63  }
0x6b: {  	_ =	swait.ge [sflag:s9], $0x4000  }
0x6c: {  	s5 =	sadd.s32 $0x3800, s14;
	[sflag:s9] =	ssyncset.done $0x0  }
0x6d: {  	s11 =	simm.s32 $0xE00;
	s12 =	simm.s32 $0x680;
	[sflag:s9] =	ssyncadd.s32 $0xFFFFC000  }
.LBB2_2:
0x6e: {  	[tilespmem:s31], [sflag:$0x7] =	stream.indirect.gather [hbm4b:s2+s16], $0x80, s12, s16, $0xb8;
	[tilespmem:$0x1DC00] =	vst v63  }
0x6f: {  	s12 =	smov.u32 s11  }
0x70: {  	p0 =	sne.s32 s11, $0x4600;
	s11 =	sadd.s32 $0xE00, s11;
	_ =	swait.ge [sflag:s0], $0x4000  }
0x71: {  	[sflag:s0] =	ssyncset.done $0x0  }
0x72: {  	s13 =	sadd.s32 $0xFFFFF000, s5;
	[sflag:s0] =	ssyncadd.s32 $0xFFFFC000  }
0x73: {  	[hbm4b:s13+s3] =	stream.linear.scatter [tilespmem:s22], [sflag:$0xB], $0x4000, $0x38;
	[tilespmem:$0x1DC00] =	vst v63  }
0x74: {  	_ =	swait.ge [sflag:s19], $0x4000  }
0x75: {  	s12 =	sshra.s32 s12, $0x2;
	[sflag:s19] =	ssyncset.done $0x0  }
0x76: {  	s13 =	sadd.s32 $0x380, s12;
	[sflag:s19] =	ssyncadd.s32 $0xFFFFC000  }
0x77: {  	[tilespmem:s17], [sflag:$0x1] =	stream.indirect.gather [hbm4b:s2+s16], $0x80, s13, s16, $0xb8;
	[tilespmem:$0x1DC00] =	vst v63  }
0x78: {  	_ =	swait.ge [sflag:s21], $0x4000  }
0x79: {  	[sflag:s21] =	ssyncset.done $0x0  }
0x7a: {  	s13 =	sadd.s32 $0xFFFFF800, s5;
	[sflag:s21] =	ssyncadd.s32 $0xFFFFC000  }
0x7b: {  	[hbm4b:s13+s3] =	stream.linear.scatter [tilespmem:s24], [sflag:$0xC], $0x4000, $0x38;
	[tilespmem:$0x1DC00] =	vst v63  }
0x7c: {  	_ =	swait.ge [sflag:s23], $0x4000  }
0x7d: {  	[sflag:s23] =	ssyncset.done $0x0  }
0x7e: {  	s13 =	sadd.s32 $0x400, s12;
	[sflag:s23] =	ssyncadd.s32 $0xFFFFC000  }
0x7f: {  	[tilespmem:s18], [sflag:$0x2] =	stream.indirect.gather [hbm4b:s2+s16], $0x80, s13, s16, $0xb8;
	[tilespmem:$0x1DC00] =	vst v63  }
0x80: {  	_ =	swait.ge [sflag:s26], $0x4000  }
0x81: {  	[sflag:s26] =	ssyncset.done $0x0  }
0x82: {  	[sflag:s26] =	ssyncadd.s32 $0xFFFFC000  }
0x83: {  	[hbm4b:s5+s3] =	stream.linear.scatter [tilespmem:s28], [sflag:$0xD], $0x4000, $0x38;
	[tilespmem:$0x1DC00] =	vst v63  }
0x84: {  	_ =	swait.ge [sflag:s30], $0x4000  }
0x85: {  	[sflag:s30] =	ssyncset.done $0x0  }
0x86: {  	s13 =	sadd.s32 $0x480, s12;
	[sflag:s30] =	ssyncadd.s32 $0xFFFFC000  }
0x87: {  	[tilespmem:s20], [sflag:$0x3] =	stream.indirect.gather [hbm4b:s2+s16], $0x80, s13, s16, $0xb8;
	[tilespmem:$0x1DC00] =	vst v63  }
0x88: {  	_ =	swait.ge [sflag:s4], $0x4000  }
0x89: {  	[sflag:s4] =	ssyncset.done $0x0  }
0x8a: {  	s13 =	sadd.s32 $0x800, s5;
	[sflag:s4] =	ssyncadd.s32 $0xFFFFC000  }
0x8b: {  	[hbm4b:s13+s3] =	stream.linear.scatter [tilespmem:s31], [sflag:$0xE], $0x4000, $0x38;
	[tilespmem:$0x1DC00] =	vst v63  }
0x8c: {  	_ =	swait.ge [sflag:s6], $0x4000  }
0x8d: {  	[sflag:s6] =	ssyncset.done $0x0  }
0x8e: {  	s13 =	sadd.s32 $0x500, s12;
	[sflag:s6] =	ssyncadd.s32 $0xFFFFC000  }
0x8f: {  	[tilespmem:s22], [sflag:$0x4] =	stream.indirect.gather [hbm4b:s2+s16], $0x80, s13, s16, $0xb8;
	[tilespmem:$0x1DC00] =	vst v63  }
0x90: {  	_ =	swait.ge [sflag:s25], $0x4000  }
0x91: {  	[sflag:s25] =	ssyncset.done $0x0  }
0x92: {  	s13 =	sadd.s32 $0x1000, s5;
	[sflag:s25] =	ssyncadd.s32 $0xFFFFC000  }
0x93: {  	[hbm4b:s13+s3] =	stream.linear.scatter [tilespmem:s17], [sflag:$0x8], $0x4000, $0x38;
	[tilespmem:$0x1DC00] =	vst v63  }
0x94: {  	_ =	swait.ge [sflag:s7], $0x4000  }
0x95: {  	[sflag:s7] =	ssyncset.done $0x0  }
0x96: {  	s13 =	sadd.s32 $0x580, s12;
	[sflag:s7] =	ssyncadd.s32 $0xFFFFC000  }
0x97: {  	[tilespmem:s24], [sflag:$0x5] =	stream.indirect.gather [hbm4b:s2+s16], $0x80, s13, s16, $0xb8;
	[tilespmem:$0x1DC00] =	vst v63  }
0x98: {  	_ =	swait.ge [sflag:s29], $0x4000  }
0x99: {  	[sflag:s29] =	ssyncset.done $0x0  }
0x9a: {  	s13 =	sadd.s32 $0x1800, s5;
	[sflag:s29] =	ssyncadd.s32 $0xFFFFC000  }
0x9b: {  	[hbm4b:s13+s3] =	stream.linear.scatter [tilespmem:s18], [sflag:$0x9], $0x4000, $0x38;
	[tilespmem:$0x1DC00] =	vst v63  }
0x9c: {  	_ =	swait.ge [sflag:s8], $0x4000  }
0x9d: {  	[sflag:s8] =	ssyncset.done $0x0  }
0x9e: {  	s13 =	sadd.s32 $0x600, s12;
	[sflag:s8] =	ssyncadd.s32 $0xFFFFC000  }
0x9f: {  	[tilespmem:s28], [sflag:$0x6] =	stream.indirect.gather [hbm4b:s2+s16], $0x80, s13, s16, $0xb8;
	[tilespmem:$0x1DC00] =	vst v63  }
0xa0: {  	_ =	swait.ge [sflag:s1], $0x4000  }
0xa1: {  	[sflag:s1] =	ssyncset.done $0x0  }
.Ltmp0:
0xa2: {  	s13 =	sadd.s32 $0x2000, s5;
	[sflag:s1] =	ssyncadd.s32 $0xFFFFC000;
	(pc) =	sbr.rel @p0 .LBB2_2-.Ltmp0, $4  }
0xa3: {  	[hbm4b:s13+s3] =	stream.linear.scatter [tilespmem:s20], [sflag:$0xA], $0x4000, $0x38;
	[tilespmem:$0x1DC00] =	vst v63  }
0xa4: {  	_ =	swait.ge [sflag:s9], $0x4000  }
0xa5: {  	[sflag:s9] =	ssyncset.done $0x0  }
0xa6: {  	s12 =	sadd.s32 $0x680, s12;
	s5 =	sadd.s32 $0x3800, s5;
	[sflag:s9] =	ssyncadd.s32 $0xFFFFC000  }
0xa7: {  	[tilespmem:s31], [sflag:$0x7] =	stream.indirect.gather [hbm4b:s2+s16], $0x80, s12, s16, $0xb8;
	[tilespmem:$0x1DC00] =	vst v63  }
0xa8: {  	_ =	swait.ge [sflag:s0], $0x4000  }
0xa9: {  	[sflag:s0] =	ssyncset.done $0x0  }
0xaa: {  	s5 =	rddreg [dreg:$0x8];
	[sflag:s0] =	ssyncadd.s32 $0xFFFFC000  }
0xab: {  	[hbm4b:s5+s3] =	stream.linear.scatter [tilespmem:s22], [sflag:$0xB], $0x4000, $0x38;
	[tilespmem:$0x1DC00] =	vst v63  }
0xac: {  	_ =	swait.ge [sflag:s19], $0x4000  }
0xad: {  	[sflag:s19] =	ssyncset.done $0x0  }
0xae: {  	s11 =	simm.s32 $0x1880;
	[sflag:s19] =	ssyncadd.s32 $0xFFFFC000  }
0xaf: {  	[tilespmem:s17], [sflag:$0x1] =	stream.indirect.gather [hbm4b:s2+s16], $0x80, s11, s16, $0xb8;
	[tilespmem:$0x1DC00] =	vst v63  }
0xb0: {  	_ =	swait.ge [sflag:s21], $0x4000  }
0xb1: {  	[sflag:s21] =	ssyncset.done $0x0  }
0xb2: {  	s12 =	rddreg [dreg:$0x9];
	[sflag:s21] =	ssyncadd.s32 $0xFFFFC000  }
0xb3: {  	[hbm4b:s12+s3] =	stream.linear.scatter [tilespmem:s24], [sflag:$0xC], $0x4000, $0x38;
	[tilespmem:$0x1DC00] =	vst v63  }
0xb4: {  	_ =	swait.ge [sflag:s26], $0x4000  }
0xb5: {  	[sflag:s26] =	ssyncset.done $0x0  }
0xb6: {  	s13 =	rddreg [dreg:$0xa];
	[sflag:s26] =	ssyncadd.s32 $0xFFFFC000  }
0xb7: {  	[hbm4b:s13+s3] =	stream.linear.scatter [tilespmem:s28], [sflag:$0xD], $0x4000, $0x38;
	[tilespmem:$0x1DC00] =	vst v63  }
0xb8: {  	_ =	swait.ge [sflag:s4], $0x4000  }
0xb9: {  	[sflag:s4] =	ssyncset.done $0x0  }
0xba: {  	s11 =	rddreg [dreg:$0xb];
	[sflag:s4] =	ssyncadd.s32 $0xFFFFC000  }
0xbb: {  	[hbm4b:s11+s3] =	stream.linear.scatter [tilespmem:s31], [sflag:$0xE], $0x4000, $0x38;
	[tilespmem:$0x1DC00] =	vst v63  }
0xbc: {  	_ =	swait.ge [sflag:s25], $0x4000  }
0xbd: {  	[sflag:s25] =	ssyncset.done $0x0  }
0xbe: {  	s12 =	rddreg [dreg:$0xc];
	[sflag:s25] =	ssyncadd.s32 $0xFFFFC000  }
0xbf: {  	[hbm4b:s12+s3] =	stream.linear.scatter [tilespmem:s17], [sflag:$0x8], $0x4000, $0x38;
	[tilespmem:$0x1DC00] =	vst v63  }
0xc0: {  	_ =	swait.ge [sflag:s23], $0x4000  }
0xc1: {  	[sflag:s23] =	ssyncset.done $0x0  }
0xc2: {  	[sflag:s23] =	ssyncadd.s32 $0xFFFFC000  }
0xc3: {  	_ =	swait.ge [sflag:s30], $0x4000  }
0xc4: {  	[sflag:s30] =	ssyncset.done $0x0  }
0xc5: {  	[sflag:s30] =	ssyncadd.s32 $0xFFFFC000  }
0xc6: {  	_ =	swait.ge [sflag:s6], $0x4000  }
0xc7: {  	[sflag:s6] =	ssyncset.done $0x0  }
0xc8: {  	[sflag:s6] =	ssyncadd.s32 $0xFFFFC000  }
0xc9: {  	_ =	swait.ge [sflag:s7], $0x4000  }
0xca: {  	[sflag:s7] =	ssyncset.done $0x0  }
0xcb: {  	[sflag:s7] =	ssyncadd.s32 $0xFFFFC000  }
0xcc: {  	_ =	swait.ge [sflag:s8], $0x4000  }
0xcd: {  	[sflag:s8] =	ssyncset.done $0x0  }
0xce: {  	[sflag:s8] =	ssyncadd.s32 $0xFFFFC000  }
0xcf: {  	_ =	swait.ge [sflag:s9], $0x4000  }
0xd0: {  	[sflag:s9] =	ssyncset.done $0x0  }
0xd1: {  	[sflag:s9] =	ssyncadd.s32 $0xFFFFC000  }
0xd2: {  	_ =	swait.ge [sflag:s19], $0x4000  }
0xd3: {  	s10 =	sadd.s32 $0x1, s10;
	s13 =	rddreg [dreg:$0xd]  }
0xd4: {  	p0 =	sne.s32 s10, s13  }
.Ltmp1:
0xd5: {  	_ = 	snop;
	(pc) =	sbr.rel @p0 .LBB2_1-.Ltmp1, $3  }
0xd6: {  	_ =	sdelay $0x1  }
0xd7: {  	[sflag:s19] =	ssyncset.done $0x0  }
0xd8: {  	[sflag:s19] =	ssyncadd.s32 $0xFFFFC000  }
0xd9: {  	_ =	sfence.sel $0x180000  }
0xda: {  	[bflag:$0x0] =	sbarrier.arrive $0xFFFF  }
0xdb: {  	_ =	strace $0x90000047  }
0xdc: {  	s0 =	stileid.u32;
	[bflag:$0x2] =	sbarrier.arrive $0xFFFF  }
0xdd: {  	p0 =	sne.s32 s0, $0x0;
	s0 =	rddreg [dreg:$0x3]  }
0xde: {  	s0 =	sadd.s32 @!p0 $0x100000, s0  }
0xdf: {  	[sflag:s0] =	ssyncadd.tile.s32 @!p0 $0x1;
	_ =	shalt  }
.Lfunc_end2:
_tile_overlayer_lowered:
.L_overlay_start_2:
0xe0: {  	(tag) =	ssettag $0x2  }
0xe1: {  	s0 =	rddreg [dreg:$0x0];
	s2 =	stileid.u32  }
0xe2: {  	s1 =	rddreg [dreg:$0x1];
	p0 =	sne.s32 s2, $0x0  }
0xe3: {  	s3 =	rddreg [dreg:$0x2];
	[bflag:$0x3] =	sbarrier.arrive $0xFFFF;
	s2 =	simm.s32 @!p0 $0x1C0F  }
0xe4: {  	[timem:s3], [sflag:s2] =	dma.local @!p0 [hbm:s0], s1  }
0xe5: {  	s0 =	simm.s32 @!p0 $0xF  }
0xe6: {  	_ =	swait.ge @!p0 [sflag:s0], s1  }
0xe7: {  	s1 =	ssub.s32 @!p0 $0x0, s1;
	[sflag:s0] =	ssyncset.done @!p0 $0x0  }
0xe8: {  	[sflag:s0] =	ssyncadd.s32 @!p0 s1  }
0xe9: {  	[bflag:$0x3] =	sbarrier.arrive $0xFFFF  }
0xea: {  	_ =	shalt  }

</sc_bundles>
